<compile_context>
chip_gen: v7x
topology: tpu7x:2x2x1
jax: 0.10.2.dev20260603
libtpu: 0.0.44.dev20260713+nightly
codegen_flags: <defaults>
</compile_context>

<pallas_src>
import functools

import jax
import jax.numpy as jnp
from jax import lax
from jax.experimental import pallas as pl
from jax.experimental.pallas import tpu as pltpu
from jax.experimental.pallas import tpu_sc as plsc

B, C, H, W = 16, 384, 24, 24
P = H * W
K = 9
HP, WP = H + 2, W + 2
NW = 32
POS_PER_W = P // 2
TC_W = 4
PCHUNK = 72
NCHUNK = POS_PER_W // PCHUNK


def _prep_body(fm_ref, cnt_ref, fmt_ref, idx_ref):
    fmt_ref[0] = fm_ref[0].T
    v = cnt_ref[...]
    i = lax.shift_right_logical(v * 5042, 17)
    j = v - i * WP
    ih = jnp.clip(i - 1, 0, H - 1)
    jw = jnp.clip(j - 1, 0, W - 1)
    t = (ih * W + jw).T
    idx_ref[0] = t[:, :POS_PER_W]
    idx_ref[1] = t[:, POS_PER_W:]


def _tc_prep(fm, counts):
    return pl.pallas_call(
        _prep_body,
        grid=(B,),
        in_specs=[
            pl.BlockSpec((1, C, P), lambda b: (b, 0, 0)),
            pl.BlockSpec((P, K), lambda b: (0, 0)),
        ],
        out_specs=[
            pl.BlockSpec((1, P, C), lambda b: (b, 0, 0)),
            pl.BlockSpec((2, K, POS_PER_W), lambda b: (0, 0, 0)),
        ],
        out_shape=[
            jax.ShapeDtypeStruct((B, P, C), jnp.float32),
            jax.ShapeDtypeStruct((2, K, POS_PER_W), jnp.int32),
        ],
        compiler_params=pltpu.CompilerParams(
            dimension_semantics=("parallel",)),
    )(fm, counts)


def _stripe_body(fmt_ref, outin_ref, out_ref):
    del outin_ref
    x = fmt_ref[...]
    i = lax.broadcasted_iota(jnp.int32, (P, 1), 0)
    wcol = i - W * lax.shift_right_logical(i * 2731, 16)
    w0 = wcol == 0
    w23 = wcol == W - 1
    a_m1 = jnp.where(w0, x, jnp.concatenate([x[:1], x[:-1]], axis=0))
    a_p1 = jnp.where(w23, x, jnp.concatenate([x[1:], x[-1:]], axis=0))

    def up(a):
        return jnp.concatenate([a[:W], a[:-W]], axis=0)

    stripes = [up(a_m1), up(x), up(a_p1), a_m1][:TC_W]
    out_ref[...] = jnp.concatenate(stripes, axis=1)


def _tc_stripes(fmt2, out0):
    return pl.pallas_call(
        _stripe_body,
        grid=(B,),
        in_specs=[
            pl.BlockSpec((P, C), lambda b: (b, 0)),
            pl.BlockSpec(memory_space=pl.ANY),
        ],
        out_specs=pl.BlockSpec((P, TC_W * C), lambda b: (b, 0)),
        out_shape=jax.ShapeDtypeStruct((B * P, K * C), jnp.float32),
        input_output_aliases={1: 0},
        compiler_params=pltpu.CompilerParams(
            dimension_semantics=("parallel",)),
    )(fmt2, out0)


_SC_MESH = plsc.VectorSubcoreMesh(core_axis_name="c", subcore_axis_name="s")


@functools.partial(
    pl.kernel,
    mesh=_SC_MESH,
    out_type=jax.ShapeDtypeStruct((B * P, K * C), jnp.float32),
    scratch_types=[
        pltpu.VMEM((K * POS_PER_W,), jnp.int32),
        pltpu.VMEM((PCHUNK, C), jnp.float32),
        pltpu.VMEM((PCHUNK, C), jnp.float32),
        pltpu.VMEM((PCHUNK, C), jnp.float32),
        pltpu.VMEM((PCHUNK, C), jnp.float32),
        pltpu.SemaphoreType.DMA,
        pltpu.SemaphoreType.DMA,
        pltpu.SemaphoreType.DMA,
        pltpu.SemaphoreType.DMA,
        pltpu.SemaphoreType.DMA,
        pltpu.SemaphoreType.DMA,
        pltpu.SemaphoreType.DMA,
        pltpu.SemaphoreType.DMA,
    ],
)
def _sc_gather(table_hbm, idxk_hbm, out_hbm, idx_v, buf0, buf1, buf2, buf3,
               gs0, gs1, gs2, gs3, ss0, ss1, ss2, ss3):
    wid = lax.axis_index("s") * 2 + lax.axis_index("c")
    batch = wid // 2
    half = wid % 2
    sc_lo = TC_W * POS_PER_W
    pltpu.sync_copy(
        idxk_hbm.at[pl.ds(half * (K * POS_PER_W) + sc_lo,
                          (K - TC_W) * POS_PER_W)],
        idx_v.at[pl.ds(sc_lo, (K - TC_W) * POS_PER_W)])

    @pl.loop(sc_lo, K * POS_PER_W, step=16)
    def _(i):
        idx_v[pl.ds(i, 16)] = idx_v[pl.ds(i, 16)] + batch * P

    pos0 = batch * P + half * POS_PER_W
    bufs = (buf0, buf1, buf2, buf3)
    gsems = (gs0, gs1, gs2, gs3)
    ssems = (ss0, ss1, ss2, ss3)

    def gather_copy(k, i):
        return pltpu.make_async_copy(
            table_hbm.at[idx_v.at[pl.ds(k * POS_PER_W + i * PCHUNK,
                                        PCHUNK)]],
            bufs[i], gsems[i])

    def store_copy(k, i):
        return pltpu.make_async_copy(
            bufs[i],
            out_hbm.at[pl.ds(pos0 + i * PCHUNK, PCHUNK),
                       pl.ds(k * C, C)],
            ssems[i])

    @pl.loop(TC_W, K)
    def _(k):
        for i in range(NCHUNK):
            @pl.when(k > TC_W)
            def _(k=k, i=i):
                store_copy(k - 1, i).wait()
            gather_copy(k, i).start()
        for i in range(NCHUNK):
            gather_copy(k, i).wait()
            store_copy(k, i).start()

    for i in range(NCHUNK):
        store_copy(K - 1, i).wait()


def kernel(fm, counts):
    fmt, idxk = _tc_prep(fm.reshape(B, C, P), counts)
    fmt2 = fmt.reshape(B * P, C)
    out0 = _sc_gather(fmt2, idxk.reshape(2 * K * POS_PER_W))
    out = _tc_stripes(fmt2, out0)
    return out.reshape(B, P, K * C)

# --- scband reference (transcript-rebuilt; emitter-appended) ---
"""Pipeline reference for scband-spatial-pool-35407710388955 (READ-ONLY COPY).

The authoritative reference and input builder live on the scoring server;
editing this copy changes nothing except your own understanding.
"""

import jax, jax.numpy as jnp
import numpy as np
import math

AMD0 = 576
KD = 3


def _make_counts(amd0, kd):
    hh = ww = int(math.isqrt(amd0))
    v = [[(hh + 2) * i + j for j in range(ww + 2)] for i in range(hh + 2)]
    counts = np.zeros((amd0, kd * kd), dtype=np.int32)
    count = 0
    for h in range(1, hh + 1):
        for w in range(1, ww + 1):
            counts[count, :] = [v[h - 1][w - 1], v[h - 1][w], v[h - 1][w + 1],
                                v[h][w - 1], v[h][w], v[h][w + 1],
                                v[h + 1][w - 1], v[h + 1][w], v[h + 1][w + 1]]
            count += 1
    return counts


def setup_inputs(seed: int = 0):
    key = jax.random.key(seed)
    fm = jax.random.normal(key, (16, 384, 24, 24), dtype=jnp.float32)
    counts = jnp.asarray(_make_counts(AMD0, KD))
    return {"fm": fm, "counts": counts}


def reference(fm, counts):
    # nn.ReplicationPad2d(1) == edge padding by 1 on H and W
    fmp = jnp.pad(fm, ((0, 0), (0, 0), (1, 1), (1, 1)), mode="edge")
    # permute(0, 2, 3, 1) then flatten spatial dims: [B, (H+2)*(W+2), C]
    fmp = jnp.transpose(fmp, (0, 2, 3, 1))
    B = fmp.shape[0]
    C = fmp.shape[3]
    fmf = fmp.reshape(B, -1, C)
    # gather 3x3 neighborhood per output position, concat along channel dim
    pfm = jnp.take(fmf, counts[:, 0], axis=1)
    for h in range(1, KD * KD):
        pfm = jnp.concatenate((pfm, jnp.take(fmf, counts[:, h], axis=1)), axis=2)
    return pfm

if __name__ == "__main__":
    import jax
    _d = setup_inputs()
    print(jax.jit(kernel)(*tuple(_d.values())))

</pallas_src>

<mosaic_0001>
#map = affine_map<(d0, d1) -> (0, 0)>
#map1 = affine_map<(d0, d1) -> (0)>
module attributes {stable_mosaic.version = 14 : i64} {
  func.func @_sc_gather(%arg0: i32, %arg1: i32, %arg2: memref<9216x384xf32, #tpu.memory_space<hbm>>, %arg3: memref<5184xi32, #tpu.memory_space<hbm>>, %arg4: memref<9216x3456xf32, #tpu.memory_space<hbm>>, %arg5: memref<2592xi32, #tpu.memory_space<vmem>>, %arg6: memref<72x384xf32, #tpu.memory_space<vmem>>, %arg7: memref<72x384xf32, #tpu.memory_space<vmem>>, %arg8: memref<72x384xf32, #tpu.memory_space<vmem>>, %arg9: memref<72x384xf32, #tpu.memory_space<vmem>>, %arg10: memref<!tpu.dma_semaphore, #tpu.memory_space<semaphore_mem>>, %arg11: memref<!tpu.dma_semaphore, #tpu.memory_space<semaphore_mem>>, %arg12: memref<!tpu.dma_semaphore, #tpu.memory_space<semaphore_mem>>, %arg13: memref<!tpu.dma_semaphore, #tpu.memory_space<semaphore_mem>>, %arg14: memref<!tpu.dma_semaphore, #tpu.memory_space<semaphore_mem>>, %arg15: memref<!tpu.dma_semaphore, #tpu.memory_space<semaphore_mem>>, %arg16: memref<!tpu.dma_semaphore, #tpu.memory_space<semaphore_mem>>, %arg17: memref<!tpu.dma_semaphore, #tpu.memory_space<semaphore_mem>>) attributes {dimension_semantics = [#tpu.dimension_semantics<core_parallel>, #tpu.dimension_semantics<subcore_parallel>], iteration_bounds = array<i64: 2, 16>, scalar_prefetch = 0 : i64, scratch_operands = 13 : i64, tpu.core_type = #tpu.core_type<sc_vector_subcore>, window_params = [{transform_indices = #map}, {transform_indices = #map1}, {transform_indices = #map}]} {
    %mul3A = arith.constant 2 : i32
    %mul3A_0 = arith.muli %arg1, %mul3A : i32
    %add3A = arith.addi %mul3A_0, %arg0 : i32
    %jit3A = arith.constant 2 : i32
    %div3A = arith.divsi %add3A, %jit3A : i32
    %sign3A = arith.constant 0 : i32
    %sign3A_1 = arith.cmpi sgt, %add3A, %sign3A : i32
    %sign3A_2 = arith.extui %sign3A_1 : i1 to i32
    %sign3A_3 = arith.constant 0 : i32
    %sign3A_4 = arith.cmpi slt, %add3A, %sign3A_3 : i32
    %sign3A_5 = arith.extui %sign3A_4 : i1 to i32
    %sign3A_6 = arith.subi %sign3A_2, %sign3A_5 : i32
    %sign3A_7 = arith.constant 0 : i32
    %sign3A_8 = arith.cmpi sgt, %jit3A, %sign3A_7 : i32
    %sign3A_9 = arith.extui %sign3A_8 : i1 to i32
    %sign3A_10 = arith.constant 0 : i32
    %sign3A_11 = arith.cmpi slt, %jit3A, %sign3A_10 : i32
    %sign3A_12 = arith.extui %sign3A_11 : i1 to i32
    %sign3A_13 = arith.subi %sign3A_9, %sign3A_12 : i32
    %ne3A = arith.cmpi ne, %sign3A_6, %sign3A_13 : i32
    %rem3A = arith.remsi %add3A, %jit3A : i32
    %ne3A_14 = arith.constant 0 : i32
    %ne3A_15 = arith.cmpi ne, %rem3A, %ne3A_14 : i32
    %and3A = arith.andi %ne3A, %ne3A_15 : i1
    %sub3A = arith.constant 1 : i32
    %sub3A_16 = arith.subi %div3A, %sub3A : i32
    %select_n3A = arith.select %and3A, %sub3A_16, %div3A : i32
    %jit3A_17 = arith.constant 2 : i32
    %eq3A = arith.constant 0 : i32
    %eq3A_18 = arith.cmpi eq, %jit3A_17, %eq3A : i32
    %jit3A_19 = arith.constant 1 : i32
    %select_n3A_20 = arith.select %eq3A_18, %jit3A_19, %jit3A_17 : i32
    %rem3A_21 = arith.remsi %add3A, %select_n3A_20 : i32
    %ne3A_22 = arith.constant 0 : i32
    %ne3A_23 = arith.cmpi ne, %rem3A_21, %ne3A_22 : i32
    %lt3A = arith.constant 0 : i32
    %lt3A_24 = arith.cmpi slt, %rem3A_21, %lt3A : i32
    %lt3A_25 = arith.constant 0 : i32
    %lt3A_26 = arith.cmpi slt, %select_n3A_20, %lt3A_25 : i32
    %ne3A_27 = arith.xori %lt3A_24, %lt3A_26 : i1
    %and3A_28 = arith.andi %ne3A_27, %ne3A_23 : i1
    %add3A_29 = arith.addi %rem3A_21, %select_n3A_20 : i32
    %select_n3A_30 = arith.select %and3A_28, %add3A_29, %rem3A_21 : i32
    %mul3A_31 = arith.constant 2592 : i32
    %mul3A_32 = arith.muli %select_n3A_30, %mul3A_31 : i32
    %add3A_33 = arith.constant 1152 : i32
    %add3A_34 = arith.addi %mul3A_32, %add3A_33 : i32
    "tpu.region"() ({
      %run_scoped3A = tpu.sem_alloc : memref<!tpu.dma_semaphore, #tpu.memory_space<semaphore_mem>>
      %dma_start3A = arith.constant 1152 : i32
      %dma_start3A_72 = tpu.memref_slice %arg5[%dma_start3A] : memref<2592xi32, #tpu.memory_space<vmem>> -> memref<1440xi32, #tpu.memory_space<vmem>>
      %dma_start3A_73 = tpu.memref_slice %arg3[%add3A_34] : memref<5184xi32, #tpu.memory_space<hbm>> -> memref<1440xi32, #tpu.memory_space<hbm>>
      %dma_start3A_74 = arith.constant 1152 : i32
      %dma_start3A_75 = tpu.memref_slice %arg5[%dma_start3A_74] : memref<2592xi32, #tpu.memory_space<vmem>> -> memref<1440xi32, #tpu.memory_space<vmem>>
      %dma_start3A_76 = tpu.memref_slice %arg3[%add3A_34] : memref<5184xi32, #tpu.memory_space<hbm>> -> memref<1440xi32, #tpu.memory_space<hbm>>
      tpu.enqueue_dma source(%dma_start3A_76 : memref<1440xi32, #tpu.memory_space<hbm>>) target(%dma_start3A_75 : memref<1440xi32, #tpu.memory_space<vmem>>) target_semaphore(%run_scoped3A : memref<!tpu.dma_semaphore, #tpu.memory_space<semaphore_mem>>)
      %dma_wait3A_77 = arith.constant 1152 : i32
      %dma_wait3A_78 = tpu.memref_slice %arg5[%dma_wait3A_77] : memref<2592xi32, #tpu.memory_space<vmem>> -> memref<1440xi32, #tpu.memory_space<vmem>>
      %dma_wait3A_79 = tpu.memref_slice %arg3[%add3A_34] : memref<5184xi32, #tpu.memory_space<hbm>> -> memref<1440xi32, #tpu.memory_space<hbm>>
      %dma_wait3A_80 = arith.constant 1152 : i32
      %dma_wait3A_81 = tpu.memref_slice %arg5[%dma_wait3A_80] : memref<2592xi32, #tpu.memory_space<vmem>> -> memref<1440xi32, #tpu.memory_space<vmem>>
      %dma_wait3A_82 = tpu.memref_slice %arg3[%add3A_34] : memref<5184xi32, #tpu.memory_space<hbm>> -> memref<1440xi32, #tpu.memory_space<hbm>>
      tpu.wait_dma2 semaphore(%run_scoped3A : memref<!tpu.dma_semaphore, #tpu.memory_space<semaphore_mem>>) src(%dma_wait3A_82 : memref<1440xi32, #tpu.memory_space<hbm>>) dst(%dma_wait3A_81 : memref<1440xi32, #tpu.memory_space<vmem>>)
      tpu.yield
    }) : () -> ()
    %scan3A = arith.constant 0 : i32
    %scan3A_35 = arith.constant 90 : i32
    %scan3A_36 = arith.addi %scan3A, %scan3A_35 : i32
    %scan3A_37 = arith.constant 1 : i32
    scf.for %scan3A_72 = %scan3A to %scan3A_36 step %scan3A_37  : i32 {
      %mul3A_73 = arith.constant 16 : i32
      %mul3A_74 = arith.muli %scan3A_72, %mul3A_73 : i32
      %add3A_75 = arith.constant 1152 : i32
      %add3A_76 = arith.addi %add3A_75, %mul3A_74 : i32
      %get3A = arith.index_cast %add3A_76 : i32 to index
      %get3A_77 = tpu.vector_load %arg5[%get3A] {strides = array<i32>} : memref<2592xi32, #tpu.memory_space<vmem>>, vector<16xi32>,
      %get3A_78 = vector.shape_cast %get3A_77 : vector<16xi32> to vector<16xi32>
      %mul3A_79 = arith.constant 576 : i32
      %mul3A_80 = arith.muli %select_n3A, %mul3A_79 : i32
      %add3A_81 = vector.broadcast %mul3A_80 : i32 to vector<16xi32>
      %add3A_82 = arith.addi %get3A_78, %add3A_81 : vector<16xi32>
      %swap3A = arith.index_cast %add3A_76 : i32 to index
      %swap3A_83 = tpu.vector_load %arg5[%swap3A] {strides = array<i32>} : memref<2592xi32, #tpu.memory_space<vmem>>, vector<16xi32>,
      %swap3A_84 = vector.shape_cast %swap3A_83 : vector<16xi32> to vector<16xi32>
      %swap3A_85 = vector.shape_cast %add3A_82 : vector<16xi32> to vector<16xi32>
      tpu.vector_store %arg5[%swap3A], %swap3A_85 {strides = array<i32>} : memref<2592xi32, #tpu.memory_space<vmem>>, vector<16xi32>,
    }
    %scan3A_38 = arith.constant 90 : i32
    %mul3A_39 = arith.constant 576 : i32
    %mul3A_40 = arith.muli %select_n3A, %mul3A_39 : i32
    %mul3A_41 = arith.constant 288 : i32
    %mul3A_42 = arith.muli %select_n3A_30, %mul3A_41 : i32
    %add3A_43 = arith.addi %mul3A_40, %mul3A_42 : i32
    %scan3A_44 = arith.constant 0 : i32
    %scan3A_45 = arith.constant 5 : i32
    %scan3A_46 = arith.addi %scan3A_44, %scan3A_45 : i32
    %scan3A_47 = arith.constant 1 : i32
    scf.for %scan3A_72 = %scan3A_44 to %scan3A_46 step %scan3A_47  : i32 {
      %mul3A_73 = arith.constant 1 : i32
      %mul3A_74 = arith.muli %scan3A_72, %mul3A_73 : i32
      %add3A_75 = arith.constant 4 : i32
      %add3A_76 = arith.addi %add3A_75, %mul3A_74 : i32
      %gt3A = arith.constant 4 : i32
      %gt3A_77 = arith.cmpi sgt, %add3A_76, %gt3A : i32
      %convert_element_type3A = arith.extui %gt3A_77 : i1 to i32
      %cond3A = arith.constant 0 : i32
      %cond3A_78 = arith.cmpi ne, %convert_element_type3A, %cond3A : i32
      scf.if %cond3A_78 {
        %sub3A_181 = arith.constant 1 : i32
        %sub3A_182 = arith.subi %add3A_76, %sub3A_181 : i32
        %add3A_183 = arith.constant 0 : i32
        %add3A_184 = arith.addi %add3A_43, %add3A_183 : i32
        %mul3A_185 = arith.constant 384 : i32
        %mul3A_186 = arith.muli %sub3A_182, %mul3A_185 : i32
        %dma_wait3A_187 = tpu.memref_slice %arg4[%add3A_184, %mul3A_186] : memref<9216x3456xf32, #tpu.memory_space<hbm>> -> memref<72x384xf32, #tpu.memory_space<hbm>>
        %dma_wait3A_188 = tpu.memref_slice %arg4[%add3A_184, %mul3A_186] : memref<9216x3456xf32, #tpu.memory_space<hbm>> -> memref<72x384xf32, #tpu.memory_space<hbm>>
        tpu.wait_dma2 semaphore(%arg14 : memref<!tpu.dma_semaphore, #tpu.memory_space<semaphore_mem>>) src(%arg6 : memref<72x384xf32, #tpu.memory_space<vmem>>) dst(%dma_wait3A_188 : memref<72x384xf32, #tpu.memory_space<hbm>>)
      } else {
      }
      %mul3A_79 = arith.constant 288 : i32
      %mul3A_80 = arith.muli %add3A_76, %mul3A_79 : i32
      %add3A_81 = arith.constant 0 : i32
      %add3A_82 = arith.addi %mul3A_80, %add3A_81 : i32
      %dma_start3A = tpu.memref_slice %arg5[%add3A_82] : memref<2592xi32, #tpu.memory_space<vmem>> -> memref<72xi32, #tpu.memory_space<vmem>>
      %dma_start3A_83 = arith.constant 0 : i32
      %dma_start3A_84 = arith.constant 0 : i32
      %dma_start3A_85 = tpu.memref_slice %arg2[%dma_start3A_83, %dma_start3A_84] : memref<9216x384xf32, #tpu.memory_space<hbm>> -> memref<9216x384xf32, #tpu.memory_space<hbm>>
      tpu.enqueue_indirect_dma source(%dma_start3A_85 : memref<9216x384xf32, #tpu.memory_space<hbm>>) target(%arg6 : memref<72x384xf32, #tpu.memory_space<vmem>>) offsets(%dma_start3A : memref<72xi32, #tpu.memory_space<vmem>>) semaphore(%arg10 : memref<!tpu.dma_semaphore, #tpu.memory_space<semaphore_mem>>)
      %gt3A_86 = arith.constant 4 : i32
      %gt3A_87 = arith.cmpi sgt, %add3A_76, %gt3A_86 : i32
      %convert_element_type3A_88 = arith.extui %gt3A_87 : i1 to i32
      %cond3A_89 = arith.constant 0 : i32
      %cond3A_90 = arith.cmpi ne, %convert_element_type3A_88, %cond3A_89 : i32
      scf.if %cond3A_90 {
        %sub3A_181 = arith.constant 1 : i32
        %sub3A_182 = arith.subi %add3A_76, %sub3A_181 : i32
        %add3A_183 = arith.constant 72 : i32
        %add3A_184 = arith.addi %add3A_43, %add3A_183 : i32
        %mul3A_185 = arith.constant 384 : i32
        %mul3A_186 = arith.muli %sub3A_182, %mul3A_185 : i32
        %dma_wait3A_187 = tpu.memref_slice %arg4[%add3A_184, %mul3A_186] : memref<9216x3456xf32, #tpu.memory_space<hbm>> -> memref<72x384xf32, #tpu.memory_space<hbm>>
        %dma_wait3A_188 = tpu.memref_slice %arg4[%add3A_184, %mul3A_186] : memref<9216x3456xf32, #tpu.memory_space<hbm>> -> memref<72x384xf32, #tpu.memory_space<hbm>>
        tpu.wait_dma2 semaphore(%arg15 : memref<!tpu.dma_semaphore, #tpu.memory_space<semaphore_mem>>) src(%arg7 : memref<72x384xf32, #tpu.memory_space<vmem>>) dst(%dma_wait3A_188 : memref<72x384xf32, #tpu.memory_space<hbm>>)
      } else {
      }
      %mul3A_91 = arith.constant 288 : i32
      %mul3A_92 = arith.muli %add3A_76, %mul3A_91 : i32
      %add3A_93 = arith.constant 72 : i32
      %add3A_94 = arith.addi %mul3A_92, %add3A_93 : i32
      %dma_start3A_95 = tpu.memref_slice %arg5[%add3A_94] : memref<2592xi32, #tpu.memory_space<vmem>> -> memref<72xi32, #tpu.memory_space<vmem>>
      %dma_start3A_96 = arith.constant 0 : i32
      %dma_start3A_97 = arith.constant 0 : i32
      %dma_start3A_98 = tpu.memref_slice %arg2[%dma_start3A_96, %dma_start3A_97] : memref<9216x384xf32, #tpu.memory_space<hbm>> -> memref<9216x384xf32, #tpu.memory_space<hbm>>
      tpu.enqueue_indirect_dma source(%dma_start3A_98 : memref<9216x384xf32, #tpu.memory_space<hbm>>) target(%arg7 : memref<72x384xf32, #tpu.memory_space<vmem>>) offsets(%dma_start3A_95 : memref<72xi32, #tpu.memory_space<vmem>>) semaphore(%arg11 : memref<!tpu.dma_semaphore, #tpu.memory_space<semaphore_mem>>)
      %gt3A_99 = arith.constant 4 : i32
      %gt3A_100 = arith.cmpi sgt, %add3A_76, %gt3A_99 : i32
      %convert_element_type3A_101 = arith.extui %gt3A_100 : i1 to i32
      %cond3A_102 = arith.constant 0 : i32
      %cond3A_103 = arith.cmpi ne, %convert_element_type3A_101, %cond3A_102 : i32
      scf.if %cond3A_103 {
        %sub3A_181 = arith.constant 1 : i32
        %sub3A_182 = arith.subi %add3A_76, %sub3A_181 : i32
        %add3A_183 = arith.constant 144 : i32
        %add3A_184 = arith.addi %add3A_43, %add3A_183 : i32
        %mul3A_185 = arith.constant 384 : i32
        %mul3A_186 = arith.muli %sub3A_182, %mul3A_185 : i32
        %dma_wait3A_187 = tpu.memref_slice %arg4[%add3A_184, %mul3A_186] : memref<9216x3456xf32, #tpu.memory_space<hbm>> -> memref<72x384xf32, #tpu.memory_space<hbm>>
        %dma_wait3A_188 = tpu.memref_slice %arg4[%add3A_184, %mul3A_186] : memref<9216x3456xf32, #tpu.memory_space<hbm>> -> memref<72x384xf32, #tpu.memory_space<hbm>>
        tpu.wait_dma2 semaphore(%arg16 : memref<!tpu.dma_semaphore, #tpu.memory_space<semaphore_mem>>) src(%arg8 : memref<72x384xf32, #tpu.memory_space<vmem>>) dst(%dma_wait3A_188 : memref<72x384xf32, #tpu.memory_space<hbm>>)
      } else {
      }
      %mul3A_104 = arith.constant 288 : i32
      %mul3A_105 = arith.muli %add3A_76, %mul3A_104 : i32
      %add3A_106 = arith.constant 144 : i32
      %add3A_107 = arith.addi %mul3A_105, %add3A_106 : i32
      %dma_start3A_108 = tpu.memref_slice %arg5[%add3A_107] : memref<2592xi32, #tpu.memory_space<vmem>> -> memref<72xi32, #tpu.memory_space<vmem>>
      %dma_start3A_109 = arith.constant 0 : i32
      %dma_start3A_110 = arith.constant 0 : i32
      %dma_start3A_111 = tpu.memref_slice %arg2[%dma_start3A_109, %dma_start3A_110] : memref<9216x384xf32, #tpu.memory_space<hbm>> -> memref<9216x384xf32, #tpu.memory_space<hbm>>
      tpu.enqueue_indirect_dma source(%dma_start3A_111 : memref<9216x384xf32, #tpu.memory_space<hbm>>) target(%arg8 : memref<72x384xf32, #tpu.memory_space<vmem>>) offsets(%dma_start3A_108 : memref<72xi32, #tpu.memory_space<vmem>>) semaphore(%arg12 : memref<!tpu.dma_semaphore, #tpu.memory_space<semaphore_mem>>)
      %gt3A_112 = arith.constant 4 : i32
      %gt3A_113 = arith.cmpi sgt, %add3A_76, %gt3A_112 : i32
      %convert_element_type3A_114 = arith.extui %gt3A_113 : i1 to i32
      %cond3A_115 = arith.constant 0 : i32
      %cond3A_116 = arith.cmpi ne, %convert_element_type3A_114, %cond3A_115 : i32
      scf.if %cond3A_116 {
        %sub3A_181 = arith.constant 1 : i32
        %sub3A_182 = arith.subi %add3A_76, %sub3A_181 : i32
        %add3A_183 = arith.constant 216 : i32
        %add3A_184 = arith.addi %add3A_43, %add3A_183 : i32
        %mul3A_185 = arith.constant 384 : i32
        %mul3A_186 = arith.muli %sub3A_182, %mul3A_185 : i32
        %dma_wait3A_187 = tpu.memref_slice %arg4[%add3A_184, %mul3A_186] : memref<9216x3456xf32, #tpu.memory_space<hbm>> -> memref<72x384xf32, #tpu.memory_space<hbm>>
        %dma_wait3A_188 = tpu.memref_slice %arg4[%add3A_184, %mul3A_186] : memref<9216x3456xf32, #tpu.memory_space<hbm>> -> memref<72x384xf32, #tpu.memory_space<hbm>>
        tpu.wait_dma2 semaphore(%arg17 : memref<!tpu.dma_semaphore, #tpu.memory_space<semaphore_mem>>) src(%arg9 : memref<72x384xf32, #tpu.memory_space<vmem>>) dst(%dma_wait3A_188 : memref<72x384xf32, #tpu.memory_space<hbm>>)
      } else {
      }
      %mul3A_117 = arith.constant 288 : i32
      %mul3A_118 = arith.muli %add3A_76, %mul3A_117 : i32
      %add3A_119 = arith.constant 216 : i32
      %add3A_120 = arith.addi %mul3A_118, %add3A_119 : i32
      %dma_start3A_121 = tpu.memref_slice %arg5[%add3A_120] : memref<2592xi32, #tpu.memory_space<vmem>> -> memref<72xi32, #tpu.memory_space<vmem>>
      %dma_start3A_122 = arith.constant 0 : i32
      %dma_start3A_123 = arith.constant 0 : i32
      %dma_start3A_124 = tpu.memref_slice %arg2[%dma_start3A_122, %dma_start3A_123] : memref<9216x384xf32, #tpu.memory_space<hbm>> -> memref<9216x384xf32, #tpu.memory_space<hbm>>
      tpu.enqueue_indirect_dma source(%dma_start3A_124 : memref<9216x384xf32, #tpu.memory_space<hbm>>) target(%arg9 : memref<72x384xf32, #tpu.memory_space<vmem>>) offsets(%dma_start3A_121 : memref<72xi32, #tpu.memory_space<vmem>>) semaphore(%arg13 : memref<!tpu.dma_semaphore, #tpu.memory_space<semaphore_mem>>)
      %mul3A_125 = arith.constant 288 : i32
      %mul3A_126 = arith.muli %add3A_76, %mul3A_125 : i32
      %add3A_127 = arith.constant 0 : i32
      %add3A_128 = arith.addi %mul3A_126, %add3A_127 : i32
      %dma_wait3A_129 = tpu.memref_slice %arg5[%add3A_128] : memref<2592xi32, #tpu.memory_space<vmem>> -> memref<72xi32, #tpu.memory_space<vmem>>
      %dma_wait3A_130 = arith.constant 0 : i32
      %dma_wait3A_131 = arith.constant 0 : i32
      %dma_wait3A_132 = tpu.memref_slice %arg2[%dma_wait3A_130, %dma_wait3A_131] : memref<9216x384xf32, #tpu.memory_space<hbm>> -> memref<9216x384xf32, #tpu.memory_space<hbm>>
      tpu.wait_indirect_dma semaphore(%arg10 : memref<!tpu.dma_semaphore, #tpu.memory_space<semaphore_mem>>) src(%dma_wait3A_132 : memref<9216x384xf32, #tpu.memory_space<hbm>>) dst(%arg6 : memref<72x384xf32, #tpu.memory_space<vmem>>)
      %add3A_133 = arith.constant 0 : i32
      %add3A_134 = arith.addi %add3A_43, %add3A_133 : i32
      %mul3A_135 = arith.constant 384 : i32
      %mul3A_136 = arith.muli %add3A_76, %mul3A_135 : i32
      %dma_start3A_137 = tpu.memref_slice %arg4[%add3A_134, %mul3A_136] : memref<9216x3456xf32, #tpu.memory_space<hbm>> -> memref<72x384xf32, #tpu.memory_space<hbm>>
      %dma_start3A_138 = tpu.memref_slice %arg4[%add3A_134, %mul3A_136] : memref<9216x3456xf32, #tpu.memory_space<hbm>> -> memref<72x384xf32, #tpu.memory_space<hbm>>
      tpu.enqueue_dma source(%arg6 : memref<72x384xf32, #tpu.memory_space<vmem>>) target(%dma_start3A_138 : memref<72x384xf32, #tpu.memory_space<hbm>>) target_semaphore(%arg14 : memref<!tpu.dma_semaphore, #tpu.memory_space<semaphore_mem>>)
      %mul3A_139 = arith.constant 288 : i32
      %mul3A_140 = arith.muli %add3A_76, %mul3A_139 : i32
      %add3A_141 = arith.constant 72 : i32
      %add3A_142 = arith.addi %mul3A_140, %add3A_141 : i32
      %dma_wait3A_143 = tpu.memref_slice %arg5[%add3A_142] : memref<2592xi32, #tpu.memory_space<vmem>> -> memref<72xi32, #tpu.memory_space<vmem>>
      %dma_wait3A_144 = arith.constant 0 : i32
      %dma_wait3A_145 = arith.constant 0 : i32
      %dma_wait3A_146 = tpu.memref_slice %arg2[%dma_wait3A_144, %dma_wait3A_145] : memref<9216x384xf32, #tpu.memory_space<hbm>> -> memref<9216x384xf32, #tpu.memory_space<hbm>>
      tpu.wait_indirect_dma semaphore(%arg11 : memref<!tpu.dma_semaphore, #tpu.memory_space<semaphore_mem>>) src(%dma_wait3A_146 : memref<9216x384xf32, #tpu.memory_space<hbm>>) dst(%arg7 : memref<72x384xf32, #tpu.memory_space<vmem>>)
      %add3A_147 = arith.constant 72 : i32
      %add3A_148 = arith.addi %add3A_43, %add3A_147 : i32
      %mul3A_149 = arith.constant 384 : i32
      %mul3A_150 = arith.muli %add3A_76, %mul3A_149 : i32
      %dma_start3A_151 = tpu.memref_slice %arg4[%add3A_148, %mul3A_150] : memref<9216x3456xf32, #tpu.memory_space<hbm>> -> memref<72x384xf32, #tpu.memory_space<hbm>>
      %dma_start3A_152 = tpu.memref_slice %arg4[%add3A_148, %mul3A_150] : memref<9216x3456xf32, #tpu.memory_space<hbm>> -> memref<72x384xf32, #tpu.memory_space<hbm>>
      tpu.enqueue_dma source(%arg7 : memref<72x384xf32, #tpu.memory_space<vmem>>) target(%dma_start3A_152 : memref<72x384xf32, #tpu.memory_space<hbm>>) target_semaphore(%arg15 : memref<!tpu.dma_semaphore, #tpu.memory_space<semaphore_mem>>)
      %mul3A_153 = arith.constant 288 : i32
      %mul3A_154 = arith.muli %add3A_76, %mul3A_153 : i32
      %add3A_155 = arith.constant 144 : i32
      %add3A_156 = arith.addi %mul3A_154, %add3A_155 : i32
      %dma_wait3A_157 = tpu.memref_slice %arg5[%add3A_156] : memref<2592xi32, #tpu.memory_space<vmem>> -> memref<72xi32, #tpu.memory_space<vmem>>
      %dma_wait3A_158 = arith.constant 0 : i32
      %dma_wait3A_159 = arith.constant 0 : i32
      %dma_wait3A_160 = tpu.memref_slice %arg2[%dma_wait3A_158, %dma_wait3A_159] : memref<9216x384xf32, #tpu.memory_space<hbm>> -> memref<9216x384xf32, #tpu.memory_space<hbm>>
      tpu.wait_indirect_dma semaphore(%arg12 : memref<!tpu.dma_semaphore, #tpu.memory_space<semaphore_mem>>) src(%dma_wait3A_160 : memref<9216x384xf32, #tpu.memory_space<hbm>>) dst(%arg8 : memref<72x384xf32, #tpu.memory_space<vmem>>)
      %add3A_161 = arith.constant 144 : i32
      %add3A_162 = arith.addi %add3A_43, %add3A_161 : i32
      %mul3A_163 = arith.constant 384 : i32
      %mul3A_164 = arith.muli %add3A_76, %mul3A_163 : i32
      %dma_start3A_165 = tpu.memref_slice %arg4[%add3A_162, %mul3A_164] : memref<9216x3456xf32, #tpu.memory_space<hbm>> -> memref<72x384xf32, #tpu.memory_space<hbm>>
      %dma_start3A_166 = tpu.memref_slice %arg4[%add3A_162, %mul3A_164] : memref<9216x3456xf32, #tpu.memory_space<hbm>> -> memref<72x384xf32, #tpu.memory_space<hbm>>
      tpu.enqueue_dma source(%arg8 : memref<72x384xf32, #tpu.memory_space<vmem>>) target(%dma_start3A_166 : memref<72x384xf32, #tpu.memory_space<hbm>>) target_semaphore(%arg16 : memref<!tpu.dma_semaphore, #tpu.memory_space<semaphore_mem>>)
      %mul3A_167 = arith.constant 288 : i32
      %mul3A_168 = arith.muli %add3A_76, %mul3A_167 : i32
      %add3A_169 = arith.constant 216 : i32
      %add3A_170 = arith.addi %mul3A_168, %add3A_169 : i32
      %dma_wait3A_171 = tpu.memref_slice %arg5[%add3A_170] : memref<2592xi32, #tpu.memory_space<vmem>> -> memref<72xi32, #tpu.memory_space<vmem>>
      %dma_wait3A_172 = arith.constant 0 : i32
      %dma_wait3A_173 = arith.constant 0 : i32
      %dma_wait3A_174 = tpu.memref_slice %arg2[%dma_wait3A_172, %dma_wait3A_173] : memref<9216x384xf32, #tpu.memory_space<hbm>> -> memref<9216x384xf32, #tpu.memory_space<hbm>>
      tpu.wait_indirect_dma semaphore(%arg13 : memref<!tpu.dma_semaphore, #tpu.memory_space<semaphore_mem>>) src(%dma_wait3A_174 : memref<9216x384xf32, #tpu.memory_space<hbm>>) dst(%arg9 : memref<72x384xf32, #tpu.memory_space<vmem>>)
      %add3A_175 = arith.constant 216 : i32
      %add3A_176 = arith.addi %add3A_43, %add3A_175 : i32
      %mul3A_177 = arith.constant 384 : i32
      %mul3A_178 = arith.muli %add3A_76, %mul3A_177 : i32
      %dma_start3A_179 = tpu.memref_slice %arg4[%add3A_176, %mul3A_178] : memref<9216x3456xf32, #tpu.memory_space<hbm>> -> memref<72x384xf32, #tpu.memory_space<hbm>>
      %dma_start3A_180 = tpu.memref_slice %arg4[%add3A_176, %mul3A_178] : memref<9216x3456xf32, #tpu.memory_space<hbm>> -> memref<72x384xf32, #tpu.memory_space<hbm>>
      tpu.enqueue_dma source(%arg9 : memref<72x384xf32, #tpu.memory_space<vmem>>) target(%dma_start3A_180 : memref<72x384xf32, #tpu.memory_space<hbm>>) target_semaphore(%arg17 : memref<!tpu.dma_semaphore, #tpu.memory_space<semaphore_mem>>)
    }
    %scan3A_48 = arith.constant 5 : i32
    %add3A_49 = arith.constant 0 : i32
    %add3A_50 = arith.addi %add3A_43, %add3A_49 : i32
    %dma_wait3A = arith.constant 3072 : i32
    %dma_wait3A_51 = tpu.memref_slice %arg4[%add3A_50, %dma_wait3A] : memref<9216x3456xf32, #tpu.memory_space<hbm>> -> memref<72x384xf32, #tpu.memory_space<hbm>>
    %dma_wait3A_52 = arith.constant 3072 : i32
    %dma_wait3A_53 = tpu.memref_slice %arg4[%add3A_50, %dma_wait3A_52] : memref<9216x3456xf32, #tpu.memory_space<hbm>> -> memref<72x384xf32, #tpu.memory_space<hbm>>
    tpu.wait_dma2 semaphore(%arg14 : memref<!tpu.dma_semaphore, #tpu.memory_space<semaphore_mem>>) src(%arg6 : memref<72x384xf32, #tpu.memory_space<vmem>>) dst(%dma_wait3A_53 : memref<72x384xf32, #tpu.memory_space<hbm>>)
    %add3A_54 = arith.constant 72 : i32
    %add3A_55 = arith.addi %add3A_43, %add3A_54 : i32
    %dma_wait3A_56 = arith.constant 3072 : i32
    %dma_wait3A_57 = tpu.memref_slice %arg4[%add3A_55, %dma_wait3A_56] : memref<9216x3456xf32, #tpu.memory_space<hbm>> -> memref<72x384xf32, #tpu.memory_space<hbm>>
    %dma_wait3A_58 = arith.constant 3072 : i32
    %dma_wait3A_59 = tpu.memref_slice %arg4[%add3A_55, %dma_wait3A_58] : memref<9216x3456xf32, #tpu.memory_space<hbm>> -> memref<72x384xf32, #tpu.memory_space<hbm>>
    tpu.wait_dma2 semaphore(%arg15 : memref<!tpu.dma_semaphore, #tpu.memory_space<semaphore_mem>>) src(%arg7 : memref<72x384xf32, #tpu.memory_space<vmem>>) dst(%dma_wait3A_59 : memref<72x384xf32, #tpu.memory_space<hbm>>)
    %add3A_60 = arith.constant 144 : i32
    %add3A_61 = arith.addi %add3A_43, %add3A_60 : i32
    %dma_wait3A_62 = arith.constant 3072 : i32
    %dma_wait3A_63 = tpu.memref_slice %arg4[%add3A_61, %dma_wait3A_62] : memref<9216x3456xf32, #tpu.memory_space<hbm>> -> memref<72x384xf32, #tpu.memory_space<hbm>>
    %dma_wait3A_64 = arith.constant 3072 : i32
    %dma_wait3A_65 = tpu.memref_slice %arg4[%add3A_61, %dma_wait3A_64] : memref<9216x3456xf32, #tpu.memory_space<hbm>> -> memref<72x384xf32, #tpu.memory_space<hbm>>
    tpu.wait_dma2 semaphore(%arg16 : memref<!tpu.dma_semaphore, #tpu.memory_space<semaphore_mem>>) src(%arg8 : memref<72x384xf32, #tpu.memory_space<vmem>>) dst(%dma_wait3A_65 : memref<72x384xf32, #tpu.memory_space<hbm>>)
    %add3A_66 = arith.constant 216 : i32
    %add3A_67 = arith.addi %add3A_43, %add3A_66 : i32
    %dma_wait3A_68 = arith.constant 3072 : i32
    %dma_wait3A_69 = tpu.memref_slice %arg4[%add3A_67, %dma_wait3A_68] : memref<9216x3456xf32, #tpu.memory_space<hbm>> -> memref<72x384xf32, #tpu.memory_space<hbm>>
    %dma_wait3A_70 = arith.constant 3072 : i32
    %dma_wait3A_71 = tpu.memref_slice %arg4[%add3A_67, %dma_wait3A_70] : memref<9216x3456xf32, #tpu.memory_space<hbm>> -> memref<72x384xf32, #tpu.memory_space<hbm>>
    tpu.wait_dma2 semaphore(%arg17 : memref<!tpu.dma_semaphore, #tpu.memory_space<semaphore_mem>>) src(%arg9 : memref<72x384xf32, #tpu.memory_space<vmem>>) dst(%dma_wait3A_71 : memref<72x384xf32, #tpu.memory_space<hbm>>)
    return
  }
}

module attributes {stable_mosaic.version = 14 : i64} {
  func.func @_prep_body(%arg0: i32, %arg1: memref<1x384x576xf32, #tpu.memory_space<vmem>>, %arg2: memref<576x9xi32, #tpu.memory_space<vmem>>, %arg3: memref<1x576x384xf32, #tpu.memory_space<vmem>>, %arg4: memref<2x9x288xi32, #tpu.memory_space<vmem>>) attributes {dimension_semantics = [#tpu.dimension_semantics<parallel>], iteration_bounds = array<i64: 16>, scalar_prefetch = 0 : i64, scratch_operands = 0 : i64, tpu.core_type = #tpu.core_type<tc>, window_params = [{transform_indices = @transform_0, window_bounds = array<i64: 1, 384, 576>}, {pipeline_mode = #tpu.pipeline_mode<synchronous>, transform_indices = @transform_1, window_bounds = array<i64: 576, 9>}, {transform_indices = @transform_2, window_bounds = array<i64: 1, 576, 384>}, {pipeline_mode = #tpu.pipeline_mode<synchronous>, transform_indices = @transform_3, window_bounds = array<i64: 2, 9, 288>}]} {
    %get3A = arith.constant 0 : index
    %get3A_0 = arith.constant 0 : index
    %get3A_1 = arith.constant 0 : index
    %get3A_2 = vector.load %arg1[%get3A, %get3A_0, %get3A_1] : memref<1x384x576xf32, #tpu.memory_space<vmem>>, vector<1x384x576xf32>
    %get3A_3 = vector.shape_cast %get3A_2 : vector<1x384x576xf32> to vector<384x576xf32>
    %transpose3A = tpu.transpose %get3A_3, [1, 0] : vector<384x576xf32> -> vector<576x384xf32>
    %swap3A = arith.constant 0 : index
    %swap3A_4 = arith.constant 0 : index
    %swap3A_5 = arith.constant 0 : index
    %swap3A_6 = vector.load %arg3[%swap3A, %swap3A_4, %swap3A_5] : memref<1x576x384xf32, #tpu.memory_space<vmem>>, vector<1x576x384xf32>
    %swap3A_7 = vector.shape_cast %swap3A_6 : vector<1x576x384xf32> to vector<576x384xf32>
    %swap3A_8 = vector.shape_cast %transpose3A : vector<576x384xf32> to vector<1x576x384xf32>
    tpu.vector_store %arg3[%swap3A, %swap3A_4, %swap3A_5], %swap3A_8 {strides = array<i32>} : memref<1x576x384xf32, #tpu.memory_space<vmem>>, vector<1x576x384xf32>,
    %get3A_9 = arith.constant 0 : index
    %get3A_10 = arith.constant 0 : index
    %get3A_11 = vector.load %arg2[%get3A_9, %get3A_10] : memref<576x9xi32, #tpu.memory_space<vmem>>, vector<576x9xi32>
    %mul3A = arith.constant 5042 : i32
    %mul3A_12 = vector.broadcast %mul3A : i32 to vector<576x9xi32>
    %mul3A_13 = arith.muli %get3A_11, %mul3A_12 : vector<576x9xi32>
    %shift_right_logical3A = arith.constant 17 : i32
    %shift_right_logical3A_14 = vector.broadcast %shift_right_logical3A : i32 to vector<576x9xi32>
    %shift_right_logical3A_15 = arith.shrui %mul3A_13, %shift_right_logical3A_14 : vector<576x9xi32>
    %mul3A_16 = arith.constant 26 : i32
    %mul3A_17 = vector.broadcast %mul3A_16 : i32 to vector<576x9xi32>
    %mul3A_18 = arith.muli %shift_right_logical3A_15, %mul3A_17 : vector<576x9xi32>
    %sub3A = arith.subi %get3A_11, %mul3A_18 : vector<576x9xi32>
    %sub3A_19 = arith.constant 1 : i32
    %sub3A_20 = vector.broadcast %sub3A_19 : i32 to vector<576x9xi32>
    %sub3A_21 = arith.subi %shift_right_logical3A_15, %sub3A_20 : vector<576x9xi32>
    %jit3A = arith.constant 0 : i32
    %jit3A_22 = arith.constant 23 : i32
    %max3A = vector.broadcast %jit3A : i32 to vector<576x9xi32>
    %max3A_23 = arith.maxsi %max3A, %sub3A_21 : vector<576x9xi32>
    %min3A = vector.broadcast %jit3A_22 : i32 to vector<576x9xi32>
    %min3A_24 = arith.minsi %min3A, %max3A_23 : vector<576x9xi32>
    %sub3A_25 = arith.constant 1 : i32
    %sub3A_26 = vector.broadcast %sub3A_25 : i32 to vector<576x9xi32>
    %sub3A_27 = arith.subi %sub3A, %sub3A_26 : vector<576x9xi32>
    %jit3A_28 = arith.constant 0 : i32
    %jit3A_29 = arith.constant 23 : i32
    %max3A_30 = vector.broadcast %jit3A_28 : i32 to vector<576x9xi32>
    %max3A_31 = arith.maxsi %max3A_30, %sub3A_27 : vector<576x9xi32>
    %min3A_32 = vector.broadcast %jit3A_29 : i32 to vector<576x9xi32>
    %min3A_33 = arith.minsi %min3A_32, %max3A_31 : vector<576x9xi32>
    %mul3A_34 = arith.constant 24 : i32
    %mul3A_35 = vector.broadcast %mul3A_34 : i32 to vector<576x9xi32>
    %mul3A_36 = arith.muli %min3A_24, %mul3A_35 : vector<576x9xi32>
    %add3A = arith.addi %mul3A_36, %min3A_33 : vector<576x9xi32>
    %transpose3A_37 = tpu.transpose %add3A, [1, 0] : vector<576x9xi32> -> vector<9x576xi32>
    %slice3A = vector.extract_strided_slice %transpose3A_37 {offsets = [0, 0], sizes = [9, 288], strides = [1, 1]} : vector<9x576xi32> to vector<9x288xi32>
    %swap3A_38 = arith.constant 0 : index
    %swap3A_39 = arith.constant 0 : index
    %swap3A_40 = arith.constant 0 : index
    %swap3A_41 = vector.load %arg4[%swap3A_38, %swap3A_39, %swap3A_40] : memref<2x9x288xi32, #tpu.memory_space<vmem>>, vector<1x9x288xi32>
    %swap3A_42 = vector.shape_cast %swap3A_41 : vector<1x9x288xi32> to vector<9x288xi32>
    %swap3A_43 = vector.shape_cast %slice3A : vector<9x288xi32> to vector<1x9x288xi32>
    tpu.vector_store %arg4[%swap3A_38, %swap3A_39, %swap3A_40], %swap3A_43 {strides = array<i32>} : memref<2x9x288xi32, #tpu.memory_space<vmem>>, vector<1x9x288xi32>,
    %slice3A_44 = vector.extract_strided_slice %transpose3A_37 {offsets = [0, 288], sizes = [9, 288], strides = [1, 1]} : vector<9x576xi32> to vector<9x288xi32>
    %swap3A_45 = arith.constant 1 : index
    %swap3A_46 = arith.constant 0 : index
    %swap3A_47 = arith.constant 0 : index
    %swap3A_48 = vector.load %arg4[%swap3A_45, %swap3A_46, %swap3A_47] : memref<2x9x288xi32, #tpu.memory_space<vmem>>, vector<1x9x288xi32>
    %swap3A_49 = vector.shape_cast %swap3A_48 : vector<1x9x288xi32> to vector<9x288xi32>
    %swap3A_50 = vector.shape_cast %slice3A_44 : vector<9x288xi32> to vector<1x9x288xi32>
    tpu.vector_store %arg4[%swap3A_45, %swap3A_46, %swap3A_47], %swap3A_50 {strides = array<i32>} : memref<2x9x288xi32, #tpu.memory_space<vmem>>, vector<1x9x288xi32>,
    return
  }
  func.func @transform_0(%arg0: i32) -> (i32, i32, i32) {
    %c0_i32 = arith.constant 0 : i32
    %c0_i32_0 = arith.constant 0 : i32
    %c0_i32_1 = arith.constant 0 : i32
    return %arg0, %c0_i32, %c0_i32_0 : i32, i32, i32
  }
  func.func @transform_1(%arg0: i32) -> (i32, i32) {
    %c0_i32 = arith.constant 0 : i32
    %c0_i32_0 = arith.constant 0 : i32
    %c0_i32_1 = arith.constant 0 : i32
    return %c0_i32, %c0_i32_0 : i32, i32
  }
  func.func @transform_2(%arg0: i32) -> (i32, i32, i32) {
    %c0_i32 = arith.constant 0 : i32
    %c0_i32_0 = arith.constant 0 : i32
    %c0_i32_1 = arith.constant 0 : i32
    return %arg0, %c0_i32, %c0_i32_0 : i32, i32, i32
  }
  func.func @transform_3(%arg0: i32) -> (i32, i32, i32) {
    %c0_i32 = arith.constant 0 : i32
    %c0_i32_0 = arith.constant 0 : i32
    %c0_i32_1 = arith.constant 0 : i32
    %c0_i32_2 = arith.constant 0 : i32
    return %c0_i32, %c0_i32_0, %c0_i32_1 : i32, i32, i32
  }
}

module attributes {stable_mosaic.version = 14 : i64} {
  func.func @_stripe_body(%arg0: i32, %arg1: memref<576x384xf32, #tpu.memory_space<vmem>>, %arg2: memref<9216x3456xf32, #tpu.memory_space<any>>, %arg3: memref<576x1536xf32, #tpu.memory_space<vmem>>) attributes {dimension_semantics = [#tpu.dimension_semantics<parallel>], iteration_bounds = array<i64: 16>, scalar_prefetch = 0 : i64, scratch_operands = 0 : i64, tpu.core_type = #tpu.core_type<tc>, window_params = [{transform_indices = @transform_0, window_bounds = array<i64: 576, 384>}, {}, {transform_indices = @transform_2, window_bounds = array<i64: 576, 1536>}]} {
    %get3A = arith.constant 0 : index
    %get3A_0 = arith.constant 0 : index
    %get3A_1 = vector.load %arg1[%get3A, %get3A_0] : memref<576x384xf32, #tpu.memory_space<vmem>>, vector<576x384xf32>
    %iota3A = tpu.iota {dimensions = array<i32: 0>} : vector<576x1xi32>
    %mul3A = arith.constant 2731 : i32
    %mul3A_2 = vector.broadcast %mul3A : i32 to vector<576x1xi32>
    %mul3A_3 = arith.muli %iota3A, %mul3A_2 : vector<576x1xi32>
    %shift_right_logical3A = arith.constant 16 : i32
    %shift_right_logical3A_4 = vector.broadcast %shift_right_logical3A : i32 to vector<576x1xi32>
    %shift_right_logical3A_5 = arith.shrui %mul3A_3, %shift_right_logical3A_4 : vector<576x1xi32>
    %mul3A_6 = arith.constant 24 : i32
    %mul3A_7 = vector.broadcast %mul3A_6 : i32 to vector<576x1xi32>
    %mul3A_8 = arith.muli %mul3A_7, %shift_right_logical3A_5 : vector<576x1xi32>
    %sub3A = arith.subi %iota3A, %mul3A_8 : vector<576x1xi32>
    %eq3A = arith.constant 0 : i32
    %eq3A_9 = vector.broadcast %eq3A : i32 to vector<576x1xi32>
    %eq3A_10 = arith.cmpi eq, %sub3A, %eq3A_9 : vector<576x1xi32>
    %eq3A_11 = arith.constant 23 : i32
    %eq3A_12 = vector.broadcast %eq3A_11 : i32 to vector<576x1xi32>
    %eq3A_13 = arith.cmpi eq, %sub3A, %eq3A_12 : vector<576x1xi32>
    %slice3A = vector.extract_strided_slice %get3A_1 {offsets = [0, 0], sizes = [1, 384], strides = [1, 1]} : vector<576x384xf32> to vector<1x384xf32>
    %slice3A_14 = vector.extract_strided_slice %get3A_1 {offsets = [0, 0], sizes = [575, 384], strides = [1, 1]} : vector<576x384xf32> to vector<575x384xf32>
    %concatenate3A = tpu.concatenate %slice3A, %slice3A_14 in 0 : vector<1x384xf32>, vector<575x384xf32> -> vector<576x384xf32>
    %broadcast_in_dim3A = vector.shape_cast %eq3A_10 : vector<576x1xi1> to vector<576x1xi1>
    %broadcast_in_dim3A_15 = vector.broadcast %broadcast_in_dim3A : vector<576x1xi1> to vector<576x384xi1>
    %select_n3A = arith.select %broadcast_in_dim3A_15, %get3A_1, %concatenate3A : vector<576x384xi1>, vector<576x384xf32>
    %slice3A_16 = vector.extract_strided_slice %get3A_1 {offsets = [1, 0], sizes = [575, 384], strides = [1, 1]} : vector<576x384xf32> to vector<575x384xf32>
    %slice3A_17 = vector.extract_strided_slice %get3A_1 {offsets = [575, 0], sizes = [1, 384], strides = [1, 1]} : vector<576x384xf32> to vector<1x384xf32>
    %concatenate3A_18 = tpu.concatenate %slice3A_16, %slice3A_17 in 0 : vector<575x384xf32>, vector<1x384xf32> -> vector<576x384xf32>
    %broadcast_in_dim3A_19 = vector.shape_cast %eq3A_13 : vector<576x1xi1> to vector<576x1xi1>
    %broadcast_in_dim3A_20 = vector.broadcast %broadcast_in_dim3A_19 : vector<576x1xi1> to vector<576x384xi1>
    %select_n3A_21 = arith.select %broadcast_in_dim3A_20, %get3A_1, %concatenate3A_18 : vector<576x384xi1>, vector<576x384xf32>
    %slice3A_22 = vector.extract_strided_slice %select_n3A {offsets = [0, 0], sizes = [24, 384], strides = [1, 1]} : vector<576x384xf32> to vector<24x384xf32>
    %slice3A_23 = vector.extract_strided_slice %select_n3A {offsets = [0, 0], sizes = [552, 384], strides = [1, 1]} : vector<576x384xf32> to vector<552x384xf32>
    %concatenate3A_24 = tpu.concatenate %slice3A_22, %slice3A_23 in 0 : vector<24x384xf32>, vector<552x384xf32> -> vector<576x384xf32>
    %slice3A_25 = vector.extract_strided_slice %get3A_1 {offsets = [0, 0], sizes = [24, 384], strides = [1, 1]} : vector<576x384xf32> to vector<24x384xf32>
    %slice3A_26 = vector.extract_strided_slice %get3A_1 {offsets = [0, 0], sizes = [552, 384], strides = [1, 1]} : vector<576x384xf32> to vector<552x384xf32>
    %concatenate3A_27 = tpu.concatenate %slice3A_25, %slice3A_26 in 0 : vector<24x384xf32>, vector<552x384xf32> -> vector<576x384xf32>
    %slice3A_28 = vector.extract_strided_slice %select_n3A_21 {offsets = [0, 0], sizes = [24, 384], strides = [1, 1]} : vector<576x384xf32> to vector<24x384xf32>
    %slice3A_29 = vector.extract_strided_slice %select_n3A_21 {offsets = [0, 0], sizes = [552, 384], strides = [1, 1]} : vector<576x384xf32> to vector<552x384xf32>
    %concatenate3A_30 = tpu.concatenate %slice3A_28, %slice3A_29 in 0 : vector<24x384xf32>, vector<552x384xf32> -> vector<576x384xf32>
    %concatenate3A_31 = tpu.concatenate %concatenate3A_24, %concatenate3A_27, %concatenate3A_30, %select_n3A in 1 : vector<576x384xf32>, vector<576x384xf32>, vector<576x384xf32>, vector<576x384xf32> -> vector<576x1536xf32>
    %swap3A = arith.constant 0 : index
    %swap3A_32 = arith.constant 0 : index
    %swap3A_33 = vector.load %arg3[%swap3A, %swap3A_32] : memref<576x1536xf32, #tpu.memory_space<vmem>>, vector<576x1536xf32>
    tpu.vector_store %arg3[%swap3A, %swap3A_32], %concatenate3A_31 {strides = array<i32>} : memref<576x1536xf32, #tpu.memory_space<vmem>>, vector<576x1536xf32>,
    return
  }
  func.func @transform_0(%arg0: i32) -> (i32, i32) {
    %c0_i32 = arith.constant 0 : i32
    %c0_i32_0 = arith.constant 0 : i32
    return %arg0, %c0_i32 : i32, i32
  }
  func.func @transform_2(%arg0: i32) -> (i32, i32) {
    %c0_i32 = arith.constant 0 : i32
    %c0_i32_0 = arith.constant 0 : i32
    return %arg0, %c0_i32 : i32, i32
  }
}

</mosaic_0001>

<sc_bundles>
// kernel: kernel.5.cloned.1.call-start
scs
__scs_entry_jumppad:
0x0: {  	(pc) =	sbr.rel $0x88, $3  }
0x1: {  	(tag) =	ssettag $0x0;
	lr =	simm.s32 $0x1  }
0x2: {  	[smem:$0x3F9F] =	sst lr;
	_ =	strace $0xD0000000  }
0x3: {  	_ = 	snop  }
0x4: {  	_ = 	snop  }
0x5: {  	_ = 	snop  }
0x6: {  	_ = 	snop  }
0x7: {  	_ = 	snop  }
__scs_overlays_trampoline_lowered:
0x8: {  	[smem:$0x3FAE] =	sst s0  }
0x9: {  	[smem:$0x3FAF] =	sst s1  }
0xa: {  	[smem:$0x3FB0] =	sst s2  }
0xb: {  	[smem:$0x3FB1] =	sst s3  }
0xc: {  	[smem:$0x3FB2] =	sst s4  }
0xd: {  	[smem:$0x3FB3] =	sst s5  }
0xe: {  	[smem:$0x3FB4] =	sst s6  }
0xf: {  	[smem:$0x3FB5] =	sst s7  }
0x10: {  	[smem:$0x3FB6] =	sst s8  }
0x11: {  	[smem:$0x3FB7] =	sst s9;
	s0 =	simm.s32 @!p0 $0x0  }
0x12: {  	s1 =	sld [smem:$0x3F9D];
	s0 =	simm.s32 @p0 $0x1  }
0x13: {  	[smem:$0x3FB8] =	sst s0;
	s0 =	simm.s32 @!p1 $0x0  }
0x14: {  	s2 =	sld [smem:$0x3F9C];
	s0 =	simm.s32 @p1 $0x1  }
0x15: {  	[smem:$0x3FB9] =	sst s0;
	s0 =	simm.s32 @!p2 $0x0  }
0x16: {  	s3 =	sld [smem:$0x3FDB];
	s0 =	simm.s32 @p2 $0x1  }
0x17: {  	s4 =	simm.s32 $0x1BF5;
	[smem:$0x3FBB] =	sst s0  }
0x18: {  	s0 =	sld [smem:$0x3F9E];
	_ =	swait.ge [sflag:s4], $0x0  }
0x19: {  	s7 =	sld [smem:$0x3F9F]  }
0x1a: {  	s8 =	sadd.s32 $0xFFFFE003, lr  }
0x1b: {  	s9 =	sadd.s32 $0xFFFFFEF7, lr;
	s5 =	simm.s32 $0xFFFFFFFF;
	p2 =	slt.u32 s8, $0xFFFFF086  }
0x1c: {  	p1 =	slt.u32 s9, $0xF7A;
	s5 =	simm.s32 @!p2 $0x0  }
0x1d: {  	s5 =	simm.s32 @p1 $0x1;
	p0 =	seq.s32 s7, s2  }
0x1e: {  	s7 =	smul.u32 @!p0 $0xF7A, s2;
	p2 =	seq.s32 @!p0 s5, $0x0  }
0x1f: {  	s9 =	smul.u32 $0xF7A, s1;
	s8 =	simm.s32 @!p0 $0x1BF5;
	p2 =	por !p2, p0  }
0x20: {  	[sflag:s8] =	ssyncset.s32 @!p0 $0xFFFFF086;
	s6 =	sadd.s32 @!p0 s3, s7;
	s7 =	simm.s32 @!p0 $0x108  }
0x21: {  	s3 =	sadd.s32 s3, s9;
	s6 =	sadd.s32 @!p0 $0x88, s6;
	s7 =	simm.s32 @p2 $0x1082  }
0x22: {  	[simem:s7], [sflag:s8] =	dma.local @!p0 [hbm:s6], $0xF7A  }
0x23: {  	s9 =	sor.u32 $0xD0000000, s2;
	s6 =	simm.s32 $0x108;
	_ =	swait.ge @!p0 [sflag:s8], $0x0  }
0x24: {  	s3 =	sadd.s32 $0x88, s3;
	s6 =	simm.s32 @!p1 $0x1082;
	[sflag:s4] =	ssyncset.s32 $0xFFFFF086  }
0x25: {  	[simem:s6], [sflag:s4] =	dma.local [hbm:s3], $0xF7A  }
0x26: {  	[smem:$0x3F9F] =	sst s1;
	(tag) =	ssettag s2;
	_ =	strace s9  }
0x27: {  	s1 =	sld [smem:$0x3FAF]  }
0x28: {  	s2 =	sld [smem:$0x3FB0]  }
0x29: {  	s4 =	sld [smem:$0x3FB2]  }
0x2a: {  	p0 =	seq.s32 s5, $0x0;
	s5 =	sld [smem:$0x3FB3]  }
0x2b: {  	s6 =	sld [smem:$0x3FB4]  }
0x2c: {  	s7 =	sld [smem:$0x3FB5]  }
0x2d: {  	s3 =	simm.s32 $0x108;
	s8 =	sld [smem:$0x3FB6]  }
0x2e: {  	s3 =	simm.s32 @!p0 $0x1082;
	s9 =	sld [smem:$0x3FB7]  }
0x2f: {  	lr =	sadd.s32 s0, s3;
	s0 =	sld [smem:$0x3FAE]  }
0x30: {  	s3 =	sld [smem:$0x3FB1]  }
0x31: {  	[smem:$0x3FBA] =	sst s10  }
0x32: {  	s10 =	sld [smem:$0x3FB8];
	_ =	sdelay $0x3  }
0x33: {  	p0 =	seq.s32 s10, $0x1;
	s10 =	sld [smem:$0x3FBA];
	_ =	sdelay $0x3  }
0x34: {  	[smem:$0x3FBA] =	sst s10  }
0x35: {  	s10 =	sld [smem:$0x3FB9];
	_ =	sdelay $0x3  }
0x36: {  	p1 =	seq.s32 s10, $0x1;
	s10 =	sld [smem:$0x3FBA];
	_ =	sdelay $0x3  }
0x37: {  	[smem:$0x3FBA] =	sst s10  }
0x38: {  	s10 =	sld [smem:$0x3FBB]  }
0x39: {  	_ = 	snop;
	(pc) =	sbr.ind lr, $3  }
0x3a: {  	_ = 	snop  }
0x3b: {  	_ = 	snop  }
0x3c: {  	p2 =	seq.s32 s10, $0x1;
	s10 =	sld [smem:$0x3FBA]  }
0x3d: {  	_ =	shalt  }
0x3e: {  	_ =	shalt  }
0x3f: {  	_ =	shalt  }
0x40: {  	_ =	shalt  }
0x41: {  	_ =	shalt  }
0x42: {  	_ =	shalt  }
0x43: {  	_ =	shalt  }
0x44: {  	_ =	shalt  }
0x45: {  	_ =	shalt  }
0x46: {  	_ =	shalt  }
0x47: {  	_ =	shalt  }
0x48: {  	_ =	shalt  }
0x49: {  	_ =	shalt  }
0x4a: {  	_ =	shalt  }
0x4b: {  	_ =	shalt  }
0x4c: {  	_ =	shalt  }
0x4d: {  	_ =	shalt  }
0x4e: {  	_ =	shalt  }
0x4f: {  	_ =	shalt  }
0x50: {  	_ =	shalt  }
0x51: {  	_ =	shalt  }
0x52: {  	_ =	shalt  }
0x53: {  	_ =	shalt  }
0x54: {  	_ =	shalt  }
0x55: {  	_ =	shalt  }
0x56: {  	_ =	shalt  }
0x57: {  	_ =	shalt  }
0x58: {  	_ =	shalt  }
0x59: {  	_ =	shalt  }
0x5a: {  	_ =	shalt  }
0x5b: {  	_ =	shalt  }
0x5c: {  	_ =	shalt  }
0x5d: {  	_ =	shalt  }
0x5e: {  	_ =	shalt  }
0x5f: {  	_ =	shalt  }
0x60: {  	_ =	shalt  }
0x61: {  	_ =	shalt  }
0x62: {  	_ =	shalt  }
0x63: {  	_ =	shalt  }
0x64: {  	_ =	shalt  }
0x65: {  	_ =	shalt  }
0x66: {  	_ =	shalt  }
0x67: {  	_ =	shalt  }
0x68: {  	_ =	shalt  }
0x69: {  	_ =	shalt  }
0x6a: {  	_ =	shalt  }
0x6b: {  	_ =	shalt  }
0x6c: {  	_ =	shalt  }
0x6d: {  	_ =	shalt  }
0x6e: {  	_ =	shalt  }
0x6f: {  	_ =	shalt  }
0x70: {  	_ =	shalt  }
0x71: {  	_ =	shalt  }
0x72: {  	_ =	shalt  }
0x73: {  	_ =	shalt  }
0x74: {  	_ =	shalt  }
0x75: {  	_ =	shalt  }
0x76: {  	_ =	shalt  }
0x77: {  	_ =	shalt  }
0x78: {  	_ =	shalt  }
0x79: {  	_ =	shalt  }
0x7a: {  	_ =	shalt  }
0x7b: {  	_ =	shalt  }
0x7c: {  	_ =	shalt  }
0x7d: {  	_ =	shalt  }
0x7e: {  	_ =	shalt  }
0x7f: {  	_ =	shalt  }
0x80: {  	_ =	shalt  }
0x81: {  	_ =	shalt  }
0x82: {  	_ =	shalt  }
0x83: {  	_ =	shalt  }
0x84: {  	_ =	shalt  }
0x85: {  	_ =	shalt  }
0x86: {  	_ =	shalt  }
0x87: {  	_ =	shalt  }
.Lfunc_end0:
.L_simem_size_0:
called_computation_lowered:
.L_overlay_start_0:
0x88: {  	s2 =	sld [smem:$0x3FD9]  }
0x89: {  	s3 =	sld [smem:$0x3FFE];
	_ =	sdelay $0x1  }
0x8a: {  	s1 =	srdreg.scid  }
0x8b: {  	s0 =	sand.u32 $0x1, s1  }
0x8c: {  	s17 =	sshll.u32 s0, $0xA;
	s2 =	sadd.s32 s3, s2  }
0x8d: {  	s2 =	sadd.s32 s2, s17  }
0x8e: {  	[smem:$0x3FC6] =	sst s2  }
0x8f: {  	_ = 	snop  }
0x90: {  	s2 =	sld [smem:$0x3FD0];
	(tm) =	ssettm $0x1  }
0x91: {  	s18 =	sld [smem:$0x3FFB];
	_ =	sdelay $0x3  }
0x92: {  	_ =	strace s18  }
0x93: {  	s3 =	sld [smem:$0x3FFC];
	_ =	sdelay $0x3  }
0x94: {  	_ =	strace s3  }
0x95: {  	s3 =	sld [smem:$0x3FFD];
	_ =	sdelay $0x3  }
0x96: {  	_ =	strace s3  }
0x97: {  	_ =	strace $0x8FFFFFFF  }
0x98: {  	s19 =	sld [smem:$0x3FDB];
	_ =	sdelay $0x1  }
0x99: {  	s4 =	simm.s32 $_scs_section_size  }
0x9a: {  	s5 =	simm.s32 $_size__tile_overlayer_lowered;
	s6 =	simm.s32 $_tile_overlayer_lowered  }
0x9b: {  	s22 =	simm.s32 $0x1BFF;
	s21 =	sshll.u32 s6, $0x1;
	s3 =	sadd.s32 s4, s19  }
0x9c: {  	s7 =	simm.s32 $0x0;
	s20 =	sshll.u32 s5, $0x1;
	s5 =	sadd.s32 s21, s3  }
0x9d: {  	[timem:s7], [sflag:s22] =	dma.local [hbm:s5], s20  }
0x9e: {  	_ =	swait.ge [sflag:s22], s20  }
0x9f: {  	s4 =	ssub.s32 $0x0, s20;
	[sflag:s22] =	ssyncset.done $0x0  }
0xa0: {  	[sflag:s22] =	ssyncadd.s32 s4;
	_ =	sdelay $0x1  }
0xa1: {  	s23 =	simm.s32 $0x1B8B  }
0xa2: {  	_ =	swait.ge [sflag:s23], $0x1  }
0xa3: {  	[sflag:s23] =	ssyncset.done $0x0  }
0xa4: {  	s25 =	simm.s32 $0x1B8E;
	s24 =	sld [smem:$0x3FFE];
	[sflag:s23] =	ssyncadd.s32 $0xFFFFFFFF  }
0xa5: {  	s26 =	simm.s32 $execute0_lowered;
	[smem:$0x3FD2] =	sst s25  }
0xa6: {  	s5 =	sshll.u32 s26, $0x1;
	_ =	strace $0x80000046;
	[dreg:$0x1] =	wrdreg $0xFFFFFFFF  }
0xa7: {  	s28 =	simm.s32 $_size_execute0_lowered;
	s3 =	sadd.s32 s3, s5;
	[dreg:$0x0] =	wrdreg $0x0  }
0xa8: {  	s5 =	sshll.u32 s28, $0x1;
	[dreg:$0x2] =	wrdreg s3  }
0xa9: {  	[dreg:$0x3] =	wrdreg s5  }
0xaa: {  	[dreg:$0x4] =	wrdreg $0xC0  }
0xab: {  	_ =	task [dreg:s7], $0x5FFFF  }
0xac: {  	[dreg:$0x1] =	wrdreg $0xFFFFFFFF  }
0xad: {  	[dreg:$0x0] =	wrdreg $0x60  }
0xae: {  	[dreg:$0x2] =	wrdreg s24  }
0xaf: {  	[dreg:$0x3] =	wrdreg s2  }
0xb0: {  	[dreg:$0x4] =	wrdreg $0x9  }
0xb1: {  	_ =	task.clear_ibuf [dreg:s7], $0x5FFFF;
	_ =	strace $0x90000046  }
0xb2: {  	s29 =	simm.s32 $0x9;
	_ =	strace $0x80000048  }
0xb3: {  	_ =	swait.ge [sflag:s29], $0x1  }
0xb4: {  	[sflag:s29] =	ssyncadd.s32 $0xFFFFFFFF  }
0xb5: {  	_ =	strace $0x90000048  }
0xb6: {  	_ =	sfence  }
0xb7: {  	s30 =	sld [smem:$0x0];
	_ =	sdelay $0x2  }
0xb8: {  	s31 =	sshll.u32 s1, $0xD;
	s1 =	sshrl.u32 s1, $0x2  }
0xb9: {  	s3 =	sand.u32 $0x4000, s31;
	s1 =	sadd.s32 s1, s30  }
0xba: {  	s0 =	sor.u32 s3, s0;
	s1 =	sshll.u32 s1, $0x11  }
0xbb: {  	s0 =	sor.u32 s1, s0  }
0xbc: {  	s0 =	sadd.s32 $0x8F2B, s0  }
0xbd: {  	[sflag:s0] =	ssyncadd.remote.s32 $0x1  }
0xbe: {  	_ =	sfence.sel $0xFFFF  }
0xbf: {  	[dreg:$0x0] =	wrdreg $0xFFFFFFFF;
	(pc) =	sbr.abs _section_cstart, $3  }
0xc0: {  	[dreg:$0x1] =	wrdreg $0xFFFFFFFF  }
0xc1: {  	_ =	task.clear_ibuf [dreg:s7], $0x2FFFF;
	_ =	strace $0x9FFFFFFF  }
0xc2: {  	(tm) =	ssettm $0x7FFFFFFF  }
0xc3: {  	_ =	shalt  }
tec
execute0_lowered:
.L_overlay_start_1:
0x0: {  	(tag) =	ssettag $0x1  }
0x1: {  	s1 =	srdreg.scid  }
0x2: {  	s0 =	stileid.u32;
	s5 =	sand.u32 $0x1, s1  }
0x3: {  	s1 =	sor.u32 s5, s0  }
0x4: {  	p1 =	seq.s32 s5, $0x1;
	p0 =	seq.s32 s1, $0x0  }
0x5: {  	p0 =	por !p0, !p1  }
0x6: {  	s7 =	rddreg [dreg:$0x0];
	s1 =	simm.s32 $0x1;
	p0 =	por !p0, !p0  }
0x7: {  	s2 =	rddreg [dreg:$0x1];
	s3 =	simm.s32 $0x0;
	s1 =	simm.s32 @!p0 $0x0  }
0x8: {  	[smem:$0x7FF] =	sst s3;
	s1 =	ssub.s32 s0, s1  }
0x9: {  	s11 =	simm.s32 $0x1280;
	s19 =	smul.u32 $0x240, s1;
	s1 =	rddreg [dreg:$0x2]  }
0xa: {  	s12 =	simm.s32 $0x1680;
	_ =	strace $0x80000047;
	[dreg:$0x7] =	wrdreg s11  }
0xb: {  	s13 =	simm.s32 $0x1E80;
	[dreg:$0x8] =	wrdreg s12  }
0xc: {  	s14 =	simm.s32 $0x2280;
	[dreg:$0x9] =	wrdreg s13  }
0xd: {  	s15 =	simm.s32 $0x2A80;
	[dreg:$0xa] =	wrdreg s14  }
0xe: {  	s16 =	simm.s32 $0x2E80;
	[dreg:$0xb] =	wrdreg s15  }
0xf: {  	s17 =	simm.s32 $0x3680;
	[dreg:$0xc] =	wrdreg s16  }
0x10: {  	s18 =	simm.s32 $0x3A80;
	[dreg:$0xd] =	wrdreg s17  }
0x11: {  	s20 =	simm.s32 $0x4280;
	[dreg:$0xe] =	wrdreg s18  }
0x12: {  	s21 =	simm.s32 $0x4680;
	[dreg:$0xf] =	wrdreg s20  }
0x13: {  	s22 =	simm.s32 $0x4E80;
	[dreg:$0x10] =	wrdreg s21  }
0x14: {  	s23 =	simm.s32 $0x5280;
	[dreg:$0x11] =	wrdreg s22  }
0x15: {  	s24 =	simm.s32 $0x5A80;
	[dreg:$0x12] =	wrdreg s23  }
0x16: {  	s25 =	simm.s32 $0x5E80;
	[dreg:$0x13] =	wrdreg s24  }
0x17: {  	s26 =	simm.s32 $0x6680;
	[dreg:$0x14] =	wrdreg s25  }
0x18: {  	s28 =	simm.s32 $0x6A80;
	[dreg:$0x15] =	wrdreg s26  }
0x19: {  	s29 =	simm.s32 $0x7280;
	[dreg:$0x16] =	wrdreg s28  }
0x1a: {  	s30 =	simm.s32 $0x7E80;
	[dreg:$0x17] =	wrdreg s29  }
0x1b: {  	s31 =	simm.s32 $0x8280;
	[dreg:$0x18] =	wrdreg s30  }
0x1c: {  	[dreg:$0x19] =	wrdreg s31;
	s11 =	simm.s32 $0xA280  }
0x1d: {  	s12 =	simm.s32 $0xA680;
	[dreg:$0x1e] =	wrdreg s11  }
0x1e: {  	s13 =	simm.s32 $0xAE80;
	[dreg:$0x1f] =	wrdreg s12  }
0x1f: {  	s14 =	simm.s32 $0xB280;
	[smem:$0x7D3] =	sst s13  }
0x20: {  	s15 =	simm.s32 $0xBA80;
	[smem:$0x7D4] =	sst s14  }
0x21: {  	s16 =	simm.s32 $0xBE80;
	[smem:$0x7D5] =	sst s15  }
0x22: {  	s17 =	simm.s32 $0xC680;
	[smem:$0x7D6] =	sst s16  }
0x23: {  	s18 =	simm.s32 $0xCA80;
	[smem:$0x7D7] =	sst s17  }
0x24: {  	s20 =	simm.s32 $0xD280;
	[smem:$0x7D8] =	sst s18  }
0x25: {  	s21 =	simm.s32 $0xD680;
	[smem:$0x7D9] =	sst s20  }
0x26: {  	s22 =	simm.s32 $0xDE80;
	[smem:$0x7DA] =	sst s21  }
0x27: {  	s23 =	simm.s32 $0xEA80;
	[smem:$0x7DB] =	sst s22  }
0x28: {  	s24 =	simm.s32 $0xEE80;
	[smem:$0x7DC] =	sst s23  }
0x29: {  	s25 =	simm.s32 $0xF680;
	[smem:$0x7DD] =	sst s24  }
0x2a: {  	s26 =	simm.s32 $0xFA80;
	[smem:$0x7DE] =	sst s25  }
0x2b: {  	s28 =	simm.s32 $0x10280;
	[smem:$0x7DF] =	sst s26  }
0x2c: {  	s29 =	simm.s32 $0x10680;
	[smem:$0x7E0] =	sst s28  }
0x2d: {  	s30 =	simm.s32 $0x10E80;
	[smem:$0x7E1] =	sst s29  }
0x2e: {  	s31 =	simm.s32 $0x11280;
	[smem:$0x7E2] =	sst s30  }
0x2f: {  	[smem:$0x7E3] =	sst s31;
	s11 =	simm.s32 $0x13280  }
0x30: {  	s12 =	simm.s32 $0x13680;
	[smem:$0x7E8] =	sst s11  }
0x31: {  	s13 =	simm.s32 $0x13E80;
	[smem:$0x7E9] =	sst s12  }
0x32: {  	s14 =	simm.s32 $0x14280;
	[smem:$0x7EA] =	sst s13  }
0x33: {  	s15 =	simm.s32 $0x14A80;
	[smem:$0x7EB] =	sst s14  }
0x34: {  	s16 =	simm.s32 $0x15680;
	[smem:$0x7EC] =	sst s15  }
0x35: {  	s17 =	simm.s32 $0x15A80;
	[smem:$0x7ED] =	sst s16  }
0x36: {  	s20 =	simm.s32 $0x16280;
	[smem:$0x7EE] =	sst s17  }
0x37: {  	s22 =	simm.s32 $0x16680;
	[smem:$0x7EF] =	sst s20  }
0x38: {  	s23 =	simm.s32 $0x16E80;
	[smem:$0x7F0] =	sst s22  }
0x39: {  	s25 =	simm.s32 $0x17280;
	[smem:$0x7F1] =	sst s23  }
0x3a: {  	s6 =	smul.u32 $0x120, s5;
	s26 =	simm.s32 $0x17A80;
	[smem:$0x7F2] =	sst s25  }
0x3b: {  	s18 =	ssub.s32 $0x2, s5;
	s28 =	simm.s32 $0x17E80;
	[smem:$0x7F3] =	sst s26  }
0x3c: {  	s24 =	smul.u32 $0xA20, s5;
	s29 =	simm.s32 $0x18A80;
	[smem:$0x7F4] =	sst s28  }
0x3d: {  	s5 =	simm.s32 $0x1;
	s30 =	simm.s32 $0x19280;
	[smem:$0x7F6] =	sst s29  }
0x3e: {  	s31 =	simm.s32 $0x19680;
	s4 =	sadd.s32 s6, s19;
	[smem:$0x7F7] =	sst s30  }
0x3f: {  	s21 =	sshrl.u32 s18, $0x1;
	[smem:$0x7F8] =	sst s31;
	s11 =	simm.s32 $0x19E80  }
0x40: {  	s12 =	simm.s32 $0x1A280;
	s13 =	simm.s32 $0x1AA80;
	s14 =	simm.s32 $0x1AE80  }
0x41: {  	s15 =	simm.s32 $0x1B680;
	s16 =	simm.s32 $0x6C00;
	s17 =	simm.s32 $0x2  }
0x42: {  	v0 =	vmov s19;
	s19 =	simm.s32 $0x4;
	s20 =	simm.s32 $0x5;
	[smem:$0x7F9] =	sst s11  }
0x43: {  	s6 =	sadd.s32 $0xD8, s4;
	s8 =	sadd.s32 $0x90, s4;
	[smem:$0x7FA] =	sst s12  }
0x44: {  	s9 =	sadd.s32 $0x48, s4;
	s4 =	sshrl.u32 s4, $0x3;
	[smem:$0x7FB] =	sst s13  }
0x45: {  	[smem:$0x7FC] =	sst s14;
	s6 =	sshrl.u32 s6, $0x3;
	s4 =	smul.u32 $0x6C00, s4  }
0x46: {  	[smem:$0x7FD] =	sst s15;
	s8 =	sshrl.u32 s8, $0x3;
	s6 =	smul.u32 $0x6C00, s6  }
0x47: {  	s9 =	sshrl.u32 s9, $0x3;
	s8 =	smul.u32 $0x6C00, s8;
	s4 =	sadd.s32 $0x3000, s4  }
0x48: {  	s9 =	smul.u32 $0x6C00, s9;
	s6 =	sadd.s32 $0x3000, s6;
	[dreg:$0x6] =	wrdreg s4  }
0x49: {  	s22 =	simm.s32 $0x7;
	s8 =	sadd.s32 $0x3000, s8;
	[dreg:$0x3] =	wrdreg s6  }
0x4a: {  	s23 =	simm.s32 $0x8;
	s10 =	sadd.s32 $0x3000, s9;
	[dreg:$0x4] =	wrdreg s8  }
0x4b: {  	s11 =	simm.s32 $0xA80;
	s9 =	simm.s32 $0x9680;
	[dreg:$0x5] =	wrdreg s10  }
0x4c: {  	s12 =	simm.s32 $0x7680;
	s6 =	simm.s32 $0x8A80;
	[dreg:$0x1c] =	wrdreg s9  }
0x4d: {  	s13 =	simm.s32 $0xE280;
	s8 =	simm.s32 $0x8E80;
	[dreg:$0x1a] =	wrdreg s6  }
0x4e: {  	s14 =	simm.s32 $0x14E80;
	s10 =	simm.s32 $0x9A80;
	[dreg:$0x1b] =	wrdreg s8  }
0x4f: {  	s15 =	simm.s32 $0xC00;
	s9 =	simm.s32 $0x12680;
	[dreg:$0x1d] =	wrdreg s10  }
0x50: {  	s4 =	sadd.s32 $0xA00, s7;
	s6 =	simm.s32 $0x11A80;
	[smem:$0x7E6] =	sst s9  }
0x51: {  	s8 =	simm.s32 $0x11E80;
	s10 =	simm.s32 $0x12A80;
	[smem:$0x7E4] =	sst s6  }
0x52: {  	s9 =	sshrl.u32 s24, $0x3;
	s24 =	simm.s32 $0x0;
	[smem:$0x7E5] =	sst s8  }
0x53: {  	[smem:$0x7E7] =	sst s10;
	s8 =	ssub.s32 s18, s21;
	s9 =	sadd.s32 s7, s9  }
0x54: {  	v3 =	vlaneseq.u32;
	s10 =	simm.s32 $0x18680;
	s7 =	sadd.s32 $0xB00, s7;
	s18 =	simm.s32 $0x3  }
0x55: {  	vm0 =	vmmov $0xffff;
	vm1 =	vmmov $0xff;
	v2 =	vshrl.u32 v3, $0x3;
	s21 =	simm.s32 $0x6;
	s6 =	sadd.s32 $0x6CA90, s9;
	[smem:$0x7F5] =	sst s10  }
0x56: {  	v1 =	vand.u32 $0x7, v3;
	v3 =	vor.u32 $0x8, v3;
	v2 =	vmul.u32 $0x8, v2;
	s8 =	smax.u32 s8, $0x1;
	s9 =	simm.s32 $0x480;
	s10 =	simm.s32 $0x9  }
.LBB2_1:
0x57: {  	[tilespmem:s9], [sflag:$0x9] =	stream.linear.gather [hbm4b:s6+s3], $0x5A0, $0x38;
	[tilespmem:$0x1BA80] =	vst v63  }
0x58: {  	_ =	swait.ge [sflag:s10], $0x5A0  }
0x59: {  	[sflag:s10] =	ssyncset.done $0x0  }
0x5a: {  	s25 =	sand.u32 $0x7F0, s3;
	s26 =	simm.s32 $0x10;
	[sflag:s10] =	ssyncadd.s32 $0xFFFFFA60  }
.LBB2_2:
0x5b: {  	p0 =	sne.s32 s26, $0x590;
	v4 =	vld [tilespmem:s25+$0x480];
	_ =	sdelay $0x1  }
.Ltmp0:
0x5c: {  	(pc) =	sbr.rel @p0 .LBB2_2-.Ltmp0, $3  }
0x5d: {  	_ =	sdelay $0x1  }
0x5e: {  	v4 =	vadd.s32 v0, v4  }
0x5f: {  	[tilespmem:s25+$0x480] =	vst v4;
	s25 =	sand.u32 $0x7F0, s26;
	s26 =	sadd.s32 $0x10, s26  }
0x60: {  	v4 =	vld [tilespmem:s25+$0x480];
	_ =	sdelay $0x4  }
0x61: {  	v4 =	vadd.s32 v0, v4  }
0x62: {  	s26 =	simm.s32 $0x598;
	[tilespmem:s25+$0x480] =	vst v4;
	s25 =	simm.s32 $0x0  }
.LBB2_4:
0x63: {  	p0 =	seq.s32 s25, $0x0  }
0x64: {  	s28 =	simm.s32 @!p0 $0x5  }
0x65: {  	_ =	swait.ge @!p0 [sflag:s28], $0x6C00  }
0x66: {  	[sflag:s28] =	ssyncset.done @!p0 $0x0  }
0x67: {  	[sflag:s28] =	ssyncadd.s32 @!p0 $0xFFFF9400  }
0x68: {  	v4 =	vld [tilespmem:s26+$0xFFFFFEE8];
	_ =	sdelay $0x4  }
0x69: {  	v5 =	vshrl.u32 v4, $0x3  }
0x6a: {  	v5 =	vmul.u32 $0x18, v5  }
0x6b: {  	v4 =	vand.u32 $0x7, v4  }
0x6c: {  	v4 =	vor.u32 v4, v5  }
0x6d: {  	v5 =	vperm.xlane v4, v1;
	_ =	sdelay $0x1  }
0x6e: {  	v5 =	vadd.s32 v2, v5;
	_ =	sdelay $0x1  }
0x6f: {  	v4 =	vperm.xlane v4, v3;
	_ =	sdelay $0x1  }
0x70: {  	v4 =	vadd.s32 v2, v4  }
0x71: {  	[tilespmem:s11], [sflag:$0x1] =	stream.indirect_vreg.gather [hbm4b:s4+s3], $0x80, v5, vm0, $0xb8;
	[tilespmem:$0x1BA80] =	vst v63  }
0x72: {  	s30 =	rddreg [dreg:$0x7]  }
0x73: {  	[tilespmem:s30], [sflag:$0x1] =	stream.indirect_vreg.gather [hbm4b:s7+s3], $0x80, v5, vm1, $0xb8;
	[tilespmem:$0x1BA80] =	vst v63  }
0x74: {  	s29 =	rddreg [dreg:$0x8]  }
0x75: {  	[tilespmem:s29], [sflag:$0x1] =	stream.indirect_vreg.gather [hbm4b:s4+s3], $0x80, v4, vm0, $0xb8;
	[tilespmem:$0x1BA80] =	vst v63  }
0x76: {  	s31 =	rddreg [dreg:$0x9]  }
0x77: {  	[tilespmem:s31], [sflag:$0x1] =	stream.indirect_vreg.gather [hbm4b:s7+s3], $0x80, v4, vm1, $0xb8;
	[tilespmem:$0x1BA80] =	vst v63  }
0x78: {  	v4 =	vld [tilespmem:s26+$0xFFFFFEF8];
	_ =	sdelay $0x4  }
0x79: {  	v5 =	vshrl.u32 v4, $0x3  }
0x7a: {  	v5 =	vmul.u32 $0x18, v5  }
0x7b: {  	v4 =	vand.u32 $0x7, v4  }
0x7c: {  	v4 =	vor.u32 v4, v5  }
0x7d: {  	v5 =	vperm.xlane v4, v1;
	_ =	sdelay $0x1  }
0x7e: {  	v5 =	vadd.s32 v2, v5;
	_ =	sdelay $0x1  }
0x7f: {  	v4 =	vperm.xlane v4, v3;
	_ =	sdelay $0x1  }
0x80: {  	s30 =	rddreg [dreg:$0xa];
	v4 =	vadd.s32 v2, v4  }
0x81: {  	[tilespmem:s30], [sflag:$0x1] =	stream.indirect_vreg.gather [hbm4b:s4+s3], $0x80, v5, vm0, $0xb8;
	[tilespmem:$0x1BA80] =	vst v63  }
0x82: {  	s31 =	rddreg [dreg:$0xb]  }
0x83: {  	[tilespmem:s31], [sflag:$0x1] =	stream.indirect_vreg.gather [hbm4b:s7+s3], $0x80, v5, vm1, $0xb8;
	[tilespmem:$0x1BA80] =	vst v63  }
0x84: {  	s30 =	rddreg [dreg:$0xc]  }
0x85: {  	[tilespmem:s30], [sflag:$0x1] =	stream.indirect_vreg.gather [hbm4b:s4+s3], $0x80, v4, vm0, $0xb8;
	[tilespmem:$0x1BA80] =	vst v63  }
0x86: {  	s31 =	rddreg [dreg:$0xd]  }
0x87: {  	[tilespmem:s31], [sflag:$0x1] =	stream.indirect_vreg.gather [hbm4b:s7+s3], $0x80, v4, vm1, $0xb8;
	[tilespmem:$0x1BA80] =	vst v63  }
0x88: {  	v4 =	vld [tilespmem:s26+$0xFFFFFF08];
	_ =	sdelay $0x4  }
0x89: {  	v5 =	vshrl.u32 v4, $0x3  }
0x8a: {  	v5 =	vmul.u32 $0x18, v5  }
0x8b: {  	v4 =	vand.u32 $0x7, v4  }
0x8c: {  	v4 =	vor.u32 v4, v5  }
0x8d: {  	v5 =	vperm.xlane v4, v1;
	_ =	sdelay $0x1  }
0x8e: {  	v5 =	vadd.s32 v2, v5;
	_ =	sdelay $0x1  }
0x8f: {  	v4 =	vperm.xlane v4, v3;
	_ =	sdelay $0x1  }
0x90: {  	s30 =	rddreg [dreg:$0xe];
	v4 =	vadd.s32 v2, v4  }
0x91: {  	[tilespmem:s30], [sflag:$0x1] =	stream.indirect_vreg.gather [hbm4b:s4+s3], $0x80, v5, vm0, $0xb8;
	[tilespmem:$0x1BA80] =	vst v63  }
0x92: {  	s31 =	rddreg [dreg:$0xf]  }
0x93: {  	[tilespmem:s31], [sflag:$0x1] =	stream.indirect_vreg.gather [hbm4b:s7+s3], $0x80, v5, vm1, $0xb8;
	[tilespmem:$0x1BA80] =	vst v63  }
0x94: {  	s30 =	rddreg [dreg:$0x10]  }
0x95: {  	[tilespmem:s30], [sflag:$0x1] =	stream.indirect_vreg.gather [hbm4b:s4+s3], $0x80, v4, vm0, $0xb8;
	[tilespmem:$0x1BA80] =	vst v63  }
0x96: {  	s31 =	rddreg [dreg:$0x11]  }
0x97: {  	[tilespmem:s31], [sflag:$0x1] =	stream.indirect_vreg.gather [hbm4b:s7+s3], $0x80, v4, vm1, $0xb8;
	[tilespmem:$0x1BA80] =	vst v63  }
0x98: {  	v4 =	vld [tilespmem:s26+$0xFFFFFF18];
	_ =	sdelay $0x4  }
0x99: {  	v5 =	vshrl.u32 v4, $0x3  }
0x9a: {  	v5 =	vmul.u32 $0x18, v5  }
0x9b: {  	v4 =	vand.u32 $0x7, v4  }
0x9c: {  	v4 =	vor.u32 v4, v5  }
0x9d: {  	v5 =	vperm.xlane v4, v1;
	_ =	sdelay $0x1  }
0x9e: {  	v5 =	vadd.s32 v2, v5;
	_ =	sdelay $0x1  }
0x9f: {  	v4 =	vperm.xlane v4, v3;
	_ =	sdelay $0x1  }
0xa0: {  	s30 =	rddreg [dreg:$0x12];
	v4 =	vadd.s32 v2, v4  }
0xa1: {  	[tilespmem:s30], [sflag:$0x1] =	stream.indirect_vreg.gather [hbm4b:s4+s3], $0x80, v5, vm0, $0xb8;
	[tilespmem:$0x1BA80] =	vst v63  }
0xa2: {  	s31 =	rddreg [dreg:$0x13]  }
0xa3: {  	[tilespmem:s31], [sflag:$0x1] =	stream.indirect_vreg.gather [hbm4b:s7+s3], $0x80, v5, vm1, $0xb8;
	[tilespmem:$0x1BA80] =	vst v63  }
0xa4: {  	s30 =	rddreg [dreg:$0x14]  }
0xa5: {  	[tilespmem:s30], [sflag:$0x1] =	stream.indirect_vreg.gather [hbm4b:s4+s3], $0x80, v4, vm0, $0xb8;
	[tilespmem:$0x1BA80] =	vst v63  }
0xa6: {  	s31 =	rddreg [dreg:$0x15]  }
0xa7: {  	[tilespmem:s31], [sflag:$0x1] =	stream.indirect_vreg.gather [hbm4b:s7+s3], $0x80, v4, vm1, $0xb8;
	[tilespmem:$0x1BA80] =	vst v63  }
0xa8: {  	v4 =	vld.msk [tilespmem:s26+$0xFFFFFF28], $0xff;
	_ =	sdelay $0x4  }
0xa9: {  	v5 =	vshrl.u32 v4, $0x3  }
0xaa: {  	v5 =	vmul.u32 $0x18, v5  }
0xab: {  	v4 =	vand.u32 $0x7, v4  }
0xac: {  	v4 =	vor.u32 v4, v5  }
0xad: {  	v4 =	vperm.xlane v4, v1;
	_ =	sdelay $0x1  }
0xae: {  	v4 =	vadd.s32 v2, v4;
	_ =	sdelay $0x3  }
0xaf: {  	s30 =	rddreg [dreg:$0x16]  }
0xb0: {  	[tilespmem:s30], [sflag:$0x1] =	stream.indirect_vreg.gather [hbm4b:s4+s3], $0x80, v4, vm0, $0xb8;
	[tilespmem:$0x1BA80] =	vst v63  }
0xb1: {  	s28 =	simm.s32 @!p0 $0x6;
	s31 =	rddreg [dreg:$0x17]  }
0xb2: {  	[tilespmem:s31], [sflag:$0x1] =	stream.indirect_vreg.gather [hbm4b:s7+s3], $0x80, v4, vm1, $0xb8;
	[tilespmem:$0x1BA80] =	vst v63  }
0xb3: {  	_ =	swait.ge @!p0 [sflag:s28], $0x6C00  }
0xb4: {  	[sflag:s28] =	ssyncset.done @!p0 $0x0  }
0xb5: {  	[sflag:s28] =	ssyncadd.s32 @!p0 $0xFFFF9400  }
0xb6: {  	v4 =	vld [tilespmem:s26+$0xFFFFFF30];
	_ =	sdelay $0x4  }
0xb7: {  	v5 =	vshrl.u32 v4, $0x3  }
0xb8: {  	v5 =	vmul.u32 $0x18, v5  }
0xb9: {  	v4 =	vand.u32 $0x7, v4  }
0xba: {  	v4 =	vor.u32 v4, v5  }
0xbb: {  	v5 =	vperm.xlane v4, v1;
	_ =	sdelay $0x1  }
0xbc: {  	v5 =	vadd.s32 v2, v5;
	_ =	sdelay $0x1  }
0xbd: {  	v4 =	vperm.xlane v4, v3;
	_ =	sdelay $0x1  }
0xbe: {  	v4 =	vadd.s32 v2, v4  }
0xbf: {  	[tilespmem:s12], [sflag:$0x2] =	stream.indirect_vreg.gather [hbm4b:s4+s3], $0x80, v5, vm0, $0xb8;
	[tilespmem:$0x1BA80] =	vst v63  }
0xc0: {  	s30 =	rddreg [dreg:$0x18]  }
0xc1: {  	[tilespmem:s30], [sflag:$0x2] =	stream.indirect_vreg.gather [hbm4b:s7+s3], $0x80, v5, vm1, $0xb8;
	[tilespmem:$0x1BA80] =	vst v63  }
0xc2: {  	s31 =	rddreg [dreg:$0x19]  }
0xc3: {  	[tilespmem:s31], [sflag:$0x2] =	stream.indirect_vreg.gather [hbm4b:s4+s3], $0x80, v4, vm0, $0xb8;
	[tilespmem:$0x1BA80] =	vst v63  }
0xc4: {  	s30 =	rddreg [dreg:$0x1a]  }
0xc5: {  	[tilespmem:s30], [sflag:$0x2] =	stream.indirect_vreg.gather [hbm4b:s7+s3], $0x80, v4, vm1, $0xb8;
	[tilespmem:$0x1BA80] =	vst v63  }
0xc6: {  	v4 =	vld [tilespmem:s26+$0xFFFFFF40];
	_ =	sdelay $0x4  }
0xc7: {  	v5 =	vshrl.u32 v4, $0x3  }
0xc8: {  	v5 =	vmul.u32 $0x18, v5  }
0xc9: {  	v4 =	vand.u32 $0x7, v4  }
0xca: {  	v4 =	vor.u32 v4, v5  }
0xcb: {  	v5 =	vperm.xlane v4, v1;
	_ =	sdelay $0x1  }
0xcc: {  	v5 =	vadd.s32 v2, v5;
	_ =	sdelay $0x1  }
0xcd: {  	v4 =	vperm.xlane v4, v3;
	_ =	sdelay $0x1  }
0xce: {  	s31 =	rddreg [dreg:$0x1b];
	v4 =	vadd.s32 v2, v4  }
0xcf: {  	[tilespmem:s31], [sflag:$0x2] =	stream.indirect_vreg.gather [hbm4b:s4+s3], $0x80, v5, vm0, $0xb8;
	[tilespmem:$0x1BA80] =	vst v63  }
0xd0: {  	s30 =	rddreg [dreg:$0x1c]  }
0xd1: {  	[tilespmem:s30], [sflag:$0x2] =	stream.indirect_vreg.gather [hbm4b:s7+s3], $0x80, v5, vm1, $0xb8;
	[tilespmem:$0x1BA80] =	vst v63  }
0xd2: {  	s31 =	rddreg [dreg:$0x1d]  }
0xd3: {  	[tilespmem:s31], [sflag:$0x2] =	stream.indirect_vreg.gather [hbm4b:s4+s3], $0x80, v4, vm0, $0xb8;
	[tilespmem:$0x1BA80] =	vst v63  }
0xd4: {  	s30 =	rddreg [dreg:$0x1e]  }
0xd5: {  	[tilespmem:s30], [sflag:$0x2] =	stream.indirect_vreg.gather [hbm4b:s7+s3], $0x80, v4, vm1, $0xb8;
	[tilespmem:$0x1BA80] =	vst v63  }
0xd6: {  	v4 =	vld [tilespmem:s26+$0xFFFFFF50];
	_ =	sdelay $0x4  }
0xd7: {  	v5 =	vshrl.u32 v4, $0x3  }
0xd8: {  	v5 =	vmul.u32 $0x18, v5  }
0xd9: {  	v4 =	vand.u32 $0x7, v4  }
0xda: {  	v4 =	vor.u32 v4, v5  }
0xdb: {  	v5 =	vperm.xlane v4, v1;
	_ =	sdelay $0x1  }
0xdc: {  	v5 =	vadd.s32 v2, v5;
	_ =	sdelay $0x1  }
0xdd: {  	v4 =	vperm.xlane v4, v3  }
0xde: {  	s31 =	rddreg [dreg:$0x1f]  }
0xdf: {  	s30 =	sld [smem:$0x7D3];
	v4 =	vadd.s32 v2, v4  }
0xe0: {  	[tilespmem:s31], [sflag:$0x2] =	stream.indirect_vreg.gather [hbm4b:s4+s3], $0x80, v5, vm0, $0xb8;
	[tilespmem:$0x1BA80] =	vst v63  }
0xe1: {  	s31 =	sld [smem:$0x7D4]  }
0xe2: {  	[tilespmem:s30], [sflag:$0x2] =	stream.indirect_vreg.gather [hbm4b:s7+s3], $0x80, v5, vm1, $0xb8;
	[tilespmem:$0x1BA80] =	vst v63  }
0xe3: {  	s30 =	sld [smem:$0x7D5]  }
0xe4: {  	[tilespmem:s31], [sflag:$0x2] =	stream.indirect_vreg.gather [hbm4b:s4+s3], $0x80, v4, vm0, $0xb8;
	[tilespmem:$0x1BA80] =	vst v63  }
0xe5: {  	_ = 	snop  }
0xe6: {  	[tilespmem:s30], [sflag:$0x2] =	stream.indirect_vreg.gather [hbm4b:s7+s3], $0x80, v4, vm1, $0xb8;
	[tilespmem:$0x1BA80] =	vst v63  }
0xe7: {  	v4 =	vld [tilespmem:s26+$0xFFFFFF60];
	_ =	sdelay $0x4  }
0xe8: {  	v5 =	vshrl.u32 v4, $0x3  }
0xe9: {  	v5 =	vmul.u32 $0x18, v5  }
0xea: {  	v4 =	vand.u32 $0x7, v4  }
0xeb: {  	v4 =	vor.u32 v4, v5  }
0xec: {  	v5 =	vperm.xlane v4, v1;
	_ =	sdelay $0x1  }
0xed: {  	v5 =	vadd.s32 v2, v5;
	_ =	sdelay $0x1  }
0xee: {  	s31 =	sld [smem:$0x7D6];
	v4 =	vperm.xlane v4, v3;
	_ =	sdelay $0x1  }
0xef: {  	s30 =	sld [smem:$0x7D7];
	v4 =	vadd.s32 v2, v4  }
0xf0: {  	[tilespmem:s31], [sflag:$0x2] =	stream.indirect_vreg.gather [hbm4b:s4+s3], $0x80, v5, vm0, $0xb8;
	[tilespmem:$0x1BA80] =	vst v63  }
0xf1: {  	s31 =	sld [smem:$0x7D8]  }
0xf2: {  	[tilespmem:s30], [sflag:$0x2] =	stream.indirect_vreg.gather [hbm4b:s7+s3], $0x80, v5, vm1, $0xb8;
	[tilespmem:$0x1BA80] =	vst v63  }
0xf3: {  	s30 =	sld [smem:$0x7D9]  }
0xf4: {  	[tilespmem:s31], [sflag:$0x2] =	stream.indirect_vreg.gather [hbm4b:s4+s3], $0x80, v4, vm0, $0xb8;
	[tilespmem:$0x1BA80] =	vst v63  }
0xf5: {  	_ = 	snop  }
0xf6: {  	[tilespmem:s30], [sflag:$0x2] =	stream.indirect_vreg.gather [hbm4b:s7+s3], $0x80, v4, vm1, $0xb8;
	[tilespmem:$0x1BA80] =	vst v63  }
0xf7: {  	v4 =	vld.msk [tilespmem:s26+$0xFFFFFF70], $0xff;
	_ =	sdelay $0x4  }
0xf8: {  	v5 =	vshrl.u32 v4, $0x3  }
0xf9: {  	v5 =	vmul.u32 $0x18, v5  }
0xfa: {  	v4 =	vand.u32 $0x7, v4  }
0xfb: {  	v4 =	vor.u32 v4, v5  }
0xfc: {  	v4 =	vperm.xlane v4, v1;
	_ =	sdelay $0x1  }
0xfd: {  	v4 =	vadd.s32 v2, v4;
	_ =	sdelay $0x1  }
0xfe: {  	s31 =	sld [smem:$0x7DA];
	_ =	sdelay $0x1  }
0xff: {  	s30 =	sld [smem:$0x7DB]  }
0x100: {  	[tilespmem:s31], [sflag:$0x2] =	stream.indirect_vreg.gather [hbm4b:s4+s3], $0x80, v4, vm0, $0xb8;
	[tilespmem:$0x1BA80] =	vst v63  }
0x101: {  	s28 =	simm.s32 @!p0 $0x7  }
0x102: {  	[tilespmem:s30], [sflag:$0x2] =	stream.indirect_vreg.gather [hbm4b:s7+s3], $0x80, v4, vm1, $0xb8;
	[tilespmem:$0x1BA80] =	vst v63  }
0x103: {  	_ =	swait.ge @!p0 [sflag:s28], $0x6C00  }
0x104: {  	[sflag:s28] =	ssyncset.done @!p0 $0x0  }
0x105: {  	[sflag:s28] =	ssyncadd.s32 @!p0 $0xFFFF9400  }
0x106: {  	v4 =	vld [tilespmem:s26+$0xFFFFFF78];
	_ =	sdelay $0x4  }
0x107: {  	v5 =	vshrl.u32 v4, $0x3  }
0x108: {  	v5 =	vmul.u32 $0x18, v5  }
0x109: {  	v4 =	vand.u32 $0x7, v4  }
0x10a: {  	v4 =	vor.u32 v4, v5  }
0x10b: {  	v5 =	vperm.xlane v4, v1;
	_ =	sdelay $0x1  }
0x10c: {  	v5 =	vadd.s32 v2, v5;
	_ =	sdelay $0x1  }
0x10d: {  	v4 =	vperm.xlane v4, v3;
	_ =	sdelay $0x1  }
0x10e: {  	s31 =	sld [smem:$0x7DC];
	v4 =	vadd.s32 v2, v4  }
0x10f: {  	[tilespmem:s13], [sflag:$0x3] =	stream.indirect_vreg.gather [hbm4b:s4+s3], $0x80, v5, vm0, $0xb8;
	[tilespmem:$0x1BA80] =	vst v63  }
0x110: {  	s30 =	sld [smem:$0x7DD]  }
0x111: {  	[tilespmem:s31], [sflag:$0x3] =	stream.indirect_vreg.gather [hbm4b:s7+s3], $0x80, v5, vm1, $0xb8;
	[tilespmem:$0x1BA80] =	vst v63  }
0x112: {  	s31 =	sld [smem:$0x7DE]  }
0x113: {  	[tilespmem:s30], [sflag:$0x3] =	stream.indirect_vreg.gather [hbm4b:s4+s3], $0x80, v4, vm0, $0xb8;
	[tilespmem:$0x1BA80] =	vst v63  }
0x114: {  	_ = 	snop  }
0x115: {  	[tilespmem:s31], [sflag:$0x3] =	stream.indirect_vreg.gather [hbm4b:s7+s3], $0x80, v4, vm1, $0xb8;
	[tilespmem:$0x1BA80] =	vst v63  }
0x116: {  	v4 =	vld [tilespmem:s26+$0xFFFFFF88];
	_ =	sdelay $0x4  }
0x117: {  	v5 =	vshrl.u32 v4, $0x3  }
0x118: {  	v5 =	vmul.u32 $0x18, v5  }
0x119: {  	v4 =	vand.u32 $0x7, v4  }
0x11a: {  	v4 =	vor.u32 v4, v5  }
0x11b: {  	v5 =	vperm.xlane v4, v1;
	_ =	sdelay $0x1  }
0x11c: {  	v5 =	vadd.s32 v2, v5;
	_ =	sdelay $0x1  }
0x11d: {  	s30 =	sld [smem:$0x7DF];
	v4 =	vperm.xlane v4, v3;
	_ =	sdelay $0x1  }
0x11e: {  	s31 =	sld [smem:$0x7E0];
	v4 =	vadd.s32 v2, v4  }
0x11f: {  	[tilespmem:s30], [sflag:$0x3] =	stream.indirect_vreg.gather [hbm4b:s4+s3], $0x80, v5, vm0, $0xb8;
	[tilespmem:$0x1BA80] =	vst v63  }
0x120: {  	s30 =	sld [smem:$0x7E1]  }
0x121: {  	[tilespmem:s31], [sflag:$0x3] =	stream.indirect_vreg.gather [hbm4b:s7+s3], $0x80, v5, vm1, $0xb8;
	[tilespmem:$0x1BA80] =	vst v63  }
0x122: {  	s31 =	sld [smem:$0x7E2]  }
0x123: {  	[tilespmem:s30], [sflag:$0x3] =	stream.indirect_vreg.gather [hbm4b:s4+s3], $0x80, v4, vm0, $0xb8;
	[tilespmem:$0x1BA80] =	vst v63  }
0x124: {  	_ = 	snop  }
0x125: {  	[tilespmem:s31], [sflag:$0x3] =	stream.indirect_vreg.gather [hbm4b:s7+s3], $0x80, v4, vm1, $0xb8;
	[tilespmem:$0x1BA80] =	vst v63  }
0x126: {  	v4 =	vld [tilespmem:s26+$0xFFFFFF98];
	_ =	sdelay $0x4  }
0x127: {  	v5 =	vshrl.u32 v4, $0x3  }
0x128: {  	v5 =	vmul.u32 $0x18, v5  }
0x129: {  	v4 =	vand.u32 $0x7, v4  }
0x12a: {  	v4 =	vor.u32 v4, v5  }
0x12b: {  	v5 =	vperm.xlane v4, v1;
	_ =	sdelay $0x1  }
0x12c: {  	v5 =	vadd.s32 v2, v5;
	_ =	sdelay $0x1  }
0x12d: {  	s30 =	sld [smem:$0x7E3];
	v4 =	vperm.xlane v4, v3;
	_ =	sdelay $0x1  }
0x12e: {  	s31 =	sld [smem:$0x7E4];
	v4 =	vadd.s32 v2, v4  }
0x12f: {  	[tilespmem:s30], [sflag:$0x3] =	stream.indirect_vreg.gather [hbm4b:s4+s3], $0x80, v5, vm0, $0xb8;
	[tilespmem:$0x1BA80] =	vst v63  }
0x130: {  	s30 =	sld [smem:$0x7E5]  }
0x131: {  	[tilespmem:s31], [sflag:$0x3] =	stream.indirect_vreg.gather [hbm4b:s7+s3], $0x80, v5, vm1, $0xb8;
	[tilespmem:$0x1BA80] =	vst v63  }
0x132: {  	s31 =	sld [smem:$0x7E6]  }
0x133: {  	[tilespmem:s30], [sflag:$0x3] =	stream.indirect_vreg.gather [hbm4b:s4+s3], $0x80, v4, vm0, $0xb8;
	[tilespmem:$0x1BA80] =	vst v63  }
0x134: {  	_ = 	snop  }
0x135: {  	[tilespmem:s31], [sflag:$0x3] =	stream.indirect_vreg.gather [hbm4b:s7+s3], $0x80, v4, vm1, $0xb8;
	[tilespmem:$0x1BA80] =	vst v63  }
0x136: {  	v4 =	vld [tilespmem:s26+$0xFFFFFFA8];
	_ =	sdelay $0x4  }
0x137: {  	v5 =	vshrl.u32 v4, $0x3  }
0x138: {  	v5 =	vmul.u32 $0x18, v5  }
0x139: {  	v4 =	vand.u32 $0x7, v4  }
0x13a: {  	v4 =	vor.u32 v4, v5  }
0x13b: {  	v5 =	vperm.xlane v4, v1;
	_ =	sdelay $0x1  }
0x13c: {  	v5 =	vadd.s32 v2, v5;
	_ =	sdelay $0x1  }
0x13d: {  	s30 =	sld [smem:$0x7E7];
	v4 =	vperm.xlane v4, v3;
	_ =	sdelay $0x1  }
0x13e: {  	s31 =	sld [smem:$0x7E8];
	v4 =	vadd.s32 v2, v4  }
0x13f: {  	[tilespmem:s30], [sflag:$0x3] =	stream.indirect_vreg.gather [hbm4b:s4+s3], $0x80, v5, vm0, $0xb8;
	[tilespmem:$0x1BA80] =	vst v63  }
0x140: {  	s30 =	sld [smem:$0x7E9]  }
0x141: {  	[tilespmem:s31], [sflag:$0x3] =	stream.indirect_vreg.gather [hbm4b:s7+s3], $0x80, v5, vm1, $0xb8;
	[tilespmem:$0x1BA80] =	vst v63  }
0x142: {  	s31 =	sld [smem:$0x7EA]  }
0x143: {  	[tilespmem:s30], [sflag:$0x3] =	stream.indirect_vreg.gather [hbm4b:s4+s3], $0x80, v4, vm0, $0xb8;
	[tilespmem:$0x1BA80] =	vst v63  }
0x144: {  	_ = 	snop  }
0x145: {  	[tilespmem:s31], [sflag:$0x3] =	stream.indirect_vreg.gather [hbm4b:s7+s3], $0x80, v4, vm1, $0xb8;
	[tilespmem:$0x1BA80] =	vst v63  }
0x146: {  	v4 =	vld.msk [tilespmem:s26+$0xFFFFFFB8], $0xff;
	_ =	sdelay $0x4  }
0x147: {  	v5 =	vshrl.u32 v4, $0x3  }
0x148: {  	v5 =	vmul.u32 $0x18, v5  }
0x149: {  	v4 =	vand.u32 $0x7, v4  }
0x14a: {  	v4 =	vor.u32 v4, v5  }
0x14b: {  	v4 =	vperm.xlane v4, v1;
	_ =	sdelay $0x1  }
0x14c: {  	v4 =	vadd.s32 v2, v4;
	_ =	sdelay $0x1  }
0x14d: {  	s30 =	sld [smem:$0x7EB];
	_ =	sdelay $0x1  }
0x14e: {  	s31 =	sld [smem:$0x7EC]  }
0x14f: {  	[tilespmem:s30], [sflag:$0x3] =	stream.indirect_vreg.gather [hbm4b:s4+s3], $0x80, v4, vm0, $0xb8;
	[tilespmem:$0x1BA80] =	vst v63  }
0x150: {  	s28 =	simm.s32 @!p0 $0x8  }
0x151: {  	[tilespmem:s31], [sflag:$0x3] =	stream.indirect_vreg.gather [hbm4b:s7+s3], $0x80, v4, vm1, $0xb8;
	[tilespmem:$0x1BA80] =	vst v63  }
0x152: {  	_ =	swait.ge @!p0 [sflag:s28], $0x6C00  }
0x153: {  	[sflag:s28] =	ssyncset.done @!p0 $0x0  }
0x154: {  	[sflag:s28] =	ssyncadd.s32 @!p0 $0xFFFF9400  }
0x155: {  	v4 =	vld [tilespmem:s26+$0xFFFFFFC0];
	_ =	sdelay $0x4  }
0x156: {  	v5 =	vshrl.u32 v4, $0x3  }
0x157: {  	v5 =	vmul.u32 $0x18, v5  }
0x158: {  	v4 =	vand.u32 $0x7, v4  }
0x159: {  	v4 =	vor.u32 v4, v5  }
0x15a: {  	v5 =	vperm.xlane v4, v1;
	_ =	sdelay $0x1  }
0x15b: {  	v5 =	vadd.s32 v2, v5;
	_ =	sdelay $0x1  }
0x15c: {  	v4 =	vperm.xlane v4, v3;
	_ =	sdelay $0x1  }
0x15d: {  	s30 =	sld [smem:$0x7ED];
	v4 =	vadd.s32 v2, v4  }
0x15e: {  	[tilespmem:s14], [sflag:$0x4] =	stream.indirect_vreg.gather [hbm4b:s4+s3], $0x80, v5, vm0, $0xb8;
	[tilespmem:$0x1BA80] =	vst v63  }
0x15f: {  	s31 =	sld [smem:$0x7EE]  }
0x160: {  	[tilespmem:s30], [sflag:$0x4] =	stream.indirect_vreg.gather [hbm4b:s7+s3], $0x80, v5, vm1, $0xb8;
	[tilespmem:$0x1BA80] =	vst v63  }
0x161: {  	s30 =	sld [smem:$0x7EF]  }
0x162: {  	[tilespmem:s31], [sflag:$0x4] =	stream.indirect_vreg.gather [hbm4b:s4+s3], $0x80, v4, vm0, $0xb8;
	[tilespmem:$0x1BA80] =	vst v63  }
0x163: {  	_ = 	snop  }
0x164: {  	[tilespmem:s30], [sflag:$0x4] =	stream.indirect_vreg.gather [hbm4b:s7+s3], $0x80, v4, vm1, $0xb8;
	[tilespmem:$0x1BA80] =	vst v63  }
0x165: {  	v4 =	vld [tilespmem:s26+$0xFFFFFFD0];
	_ =	sdelay $0x4  }
0x166: {  	v5 =	vshrl.u32 v4, $0x3  }
0x167: {  	v5 =	vmul.u32 $0x18, v5  }
0x168: {  	v4 =	vand.u32 $0x7, v4  }
0x169: {  	v4 =	vor.u32 v4, v5  }
0x16a: {  	v5 =	vperm.xlane v4, v1;
	_ =	sdelay $0x1  }
0x16b: {  	v5 =	vadd.s32 v2, v5;
	_ =	sdelay $0x1  }
0x16c: {  	s31 =	sld [smem:$0x7F0];
	v4 =	vperm.xlane v4, v3;
	_ =	sdelay $0x1  }
0x16d: {  	s30 =	sld [smem:$0x7F1];
	v4 =	vadd.s32 v2, v4  }
0x16e: {  	[tilespmem:s31], [sflag:$0x4] =	stream.indirect_vreg.gather [hbm4b:s4+s3], $0x80, v5, vm0, $0xb8;
	[tilespmem:$0x1BA80] =	vst v63  }
0x16f: {  	s31 =	sld [smem:$0x7F2]  }
0x170: {  	[tilespmem:s30], [sflag:$0x4] =	stream.indirect_vreg.gather [hbm4b:s7+s3], $0x80, v5, vm1, $0xb8;
	[tilespmem:$0x1BA80] =	vst v63  }
0x171: {  	s30 =	sld [smem:$0x7F3]  }
0x172: {  	[tilespmem:s31], [sflag:$0x4] =	stream.indirect_vreg.gather [hbm4b:s4+s3], $0x80, v4, vm0, $0xb8;
	[tilespmem:$0x1BA80] =	vst v63  }
0x173: {  	_ = 	snop  }
0x174: {  	[tilespmem:s30], [sflag:$0x4] =	stream.indirect_vreg.gather [hbm4b:s7+s3], $0x80, v4, vm1, $0xb8;
	[tilespmem:$0x1BA80] =	vst v63  }
0x175: {  	v4 =	vld [tilespmem:s26+$0xFFFFFFE0];
	_ =	sdelay $0x4  }
0x176: {  	v5 =	vshrl.u32 v4, $0x3  }
0x177: {  	v5 =	vmul.u32 $0x18, v5  }
0x178: {  	v4 =	vand.u32 $0x7, v4  }
0x179: {  	v4 =	vor.u32 v4, v5  }
0x17a: {  	v5 =	vperm.xlane v4, v1;
	_ =	sdelay $0x1  }
0x17b: {  	v5 =	vadd.s32 v2, v5;
	_ =	sdelay $0x1  }
0x17c: {  	s31 =	sld [smem:$0x7F4];
	v4 =	vperm.xlane v4, v3;
	_ =	sdelay $0x1  }
0x17d: {  	s30 =	sld [smem:$0x7F5];
	v4 =	vadd.s32 v2, v4  }
0x17e: {  	[tilespmem:s31], [sflag:$0x4] =	stream.indirect_vreg.gather [hbm4b:s4+s3], $0x80, v5, vm0, $0xb8;
	[tilespmem:$0x1BA80] =	vst v63  }
0x17f: {  	s31 =	sld [smem:$0x7F6]  }
0x180: {  	[tilespmem:s30], [sflag:$0x4] =	stream.indirect_vreg.gather [hbm4b:s7+s3], $0x80, v5, vm1, $0xb8;
	[tilespmem:$0x1BA80] =	vst v63  }
0x181: {  	s30 =	sld [smem:$0x7F7]  }
0x182: {  	[tilespmem:s31], [sflag:$0x4] =	stream.indirect_vreg.gather [hbm4b:s4+s3], $0x80, v4, vm0, $0xb8;
	[tilespmem:$0x1BA80] =	vst v63  }
0x183: {  	_ = 	snop  }
0x184: {  	[tilespmem:s30], [sflag:$0x4] =	stream.indirect_vreg.gather [hbm4b:s7+s3], $0x80, v4, vm1, $0xb8;
	[tilespmem:$0x1BA80] =	vst v63  }
0x185: {  	v4 =	vld [tilespmem:s26+$0xFFFFFFF0];
	_ =	sdelay $0x4  }
0x186: {  	v5 =	vshrl.u32 v4, $0x3  }
0x187: {  	v5 =	vmul.u32 $0x18, v5  }
0x188: {  	v4 =	vand.u32 $0x7, v4  }
0x189: {  	v4 =	vor.u32 v4, v5  }
0x18a: {  	v5 =	vperm.xlane v4, v1;
	_ =	sdelay $0x1  }
0x18b: {  	v5 =	vadd.s32 v2, v5;
	_ =	sdelay $0x1  }
0x18c: {  	s31 =	sld [smem:$0x7F8];
	v4 =	vperm.xlane v4, v3;
	_ =	sdelay $0x1  }
0x18d: {  	s30 =	sld [smem:$0x7F9];
	v4 =	vadd.s32 v2, v4  }
0x18e: {  	[tilespmem:s31], [sflag:$0x4] =	stream.indirect_vreg.gather [hbm4b:s4+s3], $0x80, v5, vm0, $0xb8;
	[tilespmem:$0x1BA80] =	vst v63  }
0x18f: {  	s31 =	sld [smem:$0x7FA]  }
0x190: {  	[tilespmem:s30], [sflag:$0x4] =	stream.indirect_vreg.gather [hbm4b:s7+s3], $0x80, v5, vm1, $0xb8;
	[tilespmem:$0x1BA80] =	vst v63  }
0x191: {  	s30 =	sld [smem:$0x7FB]  }
0x192: {  	[tilespmem:s31], [sflag:$0x4] =	stream.indirect_vreg.gather [hbm4b:s4+s3], $0x80, v4, vm0, $0xb8;
	[tilespmem:$0x1BA80] =	vst v63  }
0x193: {  	_ = 	snop  }
0x194: {  	[tilespmem:s30], [sflag:$0x4] =	stream.indirect_vreg.gather [hbm4b:s7+s3], $0x80, v4, vm1, $0xb8;
	[tilespmem:$0x1BA80] =	vst v63  }
0x195: {  	v4 =	vld.msk [tilespmem:s26+$0x0], $0xff;
	_ =	sdelay $0x4  }
0x196: {  	v5 =	vshrl.u32 v4, $0x3  }
0x197: {  	v5 =	vmul.u32 $0x18, v5  }
0x198: {  	v4 =	vand.u32 $0x7, v4  }
0x199: {  	v4 =	vor.u32 v4, v5  }
0x19a: {  	v4 =	vperm.xlane v4, v1;
	_ =	sdelay $0x1  }
0x19b: {  	v4 =	vadd.s32 v2, v4;
	_ =	sdelay $0x1  }
0x19c: {  	s31 =	sld [smem:$0x7FC];
	_ =	sdelay $0x1  }
0x19d: {  	s30 =	sld [smem:$0x7FD]  }
0x19e: {  	[tilespmem:s31], [sflag:$0x4] =	stream.indirect_vreg.gather [hbm4b:s4+s3], $0x80, v4, vm0, $0xb8;
	[tilespmem:$0x1BA80] =	vst v63  }
0x19f: {  	_ = 	snop  }
0x1a0: {  	[tilespmem:s30], [sflag:$0x4] =	stream.indirect_vreg.gather [hbm4b:s7+s3], $0x80, v4, vm1, $0xb8;
	[tilespmem:$0x1BA80] =	vst v63  }
0x1a1: {  	_ =	swait.ge [sflag:s5], $0x6C00  }
0x1a2: {  	s31 =	rddreg [dreg:$0x6]  }
0x1a3: {  	s28 =	sadd.s32 s25, s31  }
0x1a4: {  	[sflag:s5] =	ssyncset.done $0x0;
	s28 =	sshrl.u32 s28, $0x3  }
0x1a5: {  	[sflag:s5] =	ssyncadd.s32 $0xFFFF9400;
	s28 =	sadd.s32 s2, s28  }
0x1a6: {  	[hbm4b:s28+s15] =	stream.strided.scatter [tilespmem:s11], [sflag:$0x5], $0x6C00, s16, s15, $0x38;
	[tilespmem:$0x1BA80] =	vst v63  }
0x1a7: {  	_ =	swait.ge [sflag:s17], $0x6C00  }
0x1a8: {  	s29 =	rddreg [dreg:$0x5]  }
0x1a9: {  	s28 =	sadd.s32 s25, s29  }
0x1aa: {  	[sflag:s17] =	ssyncset.done $0x0;
	s28 =	sshrl.u32 s28, $0x3  }
0x1ab: {  	[sflag:s17] =	ssyncadd.s32 $0xFFFF9400;
	s28 =	sadd.s32 s2, s28  }
0x1ac: {  	[hbm4b:s28+s15] =	stream.strided.scatter [tilespmem:s12], [sflag:$0x6], $0x6C00, s16, s15, $0x38;
	[tilespmem:$0x1BA80] =	vst v63  }
0x1ad: {  	_ =	swait.ge [sflag:s18], $0x6C00  }
0x1ae: {  	s30 =	rddreg [dreg:$0x4]  }
0x1af: {  	s28 =	sadd.s32 s25, s30  }
0x1b0: {  	[sflag:s18] =	ssyncset.done $0x0;
	s28 =	sshrl.u32 s28, $0x3  }
0x1b1: {  	[sflag:s18] =	ssyncadd.s32 $0xFFFF9400;
	s28 =	sadd.s32 s2, s28  }
0x1b2: {  	[hbm4b:s28+s15] =	stream.strided.scatter [tilespmem:s13], [sflag:$0x7], $0x6C00, s16, s15, $0x38;
	[tilespmem:$0x1BA80] =	vst v63  }
0x1b3: {  	_ =	swait.ge [sflag:s19], $0x6C00  }
0x1b4: {  	s31 =	rddreg [dreg:$0x3]  }
0x1b5: {  	s28 =	sadd.s32 s25, s31;
	s25 =	sadd.s32 $0xC00, s25  }
0x1b6: {  	p0 =	sne.s32 s25, $0x3C00  }
.Ltmp1:
0x1b7: {  	_ = 	snop;
	(pc) =	sbr.rel @p0 .LBB2_4-.Ltmp1, $4  }
0x1b8: {  	_ = 	snop  }
0x1b9: {  	[sflag:s19] =	ssyncset.done $0x0;
	s28 =	sshrl.u32 s28, $0x3  }
0x1ba: {  	s26 =	sadd.s32 $0x120, s26;
	[sflag:s19] =	ssyncadd.s32 $0xFFFF9400;
	s28 =	sadd.s32 s2, s28  }
0x1bb: {  	[hbm4b:s28+s15] =	stream.strided.scatter [tilespmem:s14], [sflag:$0x8], $0x6C00, s16, s15, $0x38;
	[tilespmem:$0x1BA80] =	vst v63  }
0x1bc: {  	_ =	swait.ge [sflag:s20], $0x6C00  }
0x1bd: {  	[sflag:s20] =	ssyncset.done $0x0  }
0x1be: {  	[sflag:s20] =	ssyncadd.s32 $0xFFFF9400  }
0x1bf: {  	_ =	swait.ge [sflag:s21], $0x6C00  }
0x1c0: {  	[sflag:s21] =	ssyncset.done $0x0  }
0x1c1: {  	s24 =	sadd.s32 $0x1, s24;
	[sflag:s21] =	ssyncadd.s32 $0xFFFF9400  }
0x1c2: {  	p0 =	sne.s32 s24, s8;
	_ =	swait.ge [sflag:s22], $0x6C00  }
.Ltmp2:
0x1c3: {  	[sflag:s22] =	ssyncset.done $0x0;
	(pc) =	sbr.rel @p0 .LBB2_1-.Ltmp2, $4  }
0x1c4: {  	[sflag:s22] =	ssyncadd.s32 $0xFFFF9400  }
0x1c5: {  	_ =	swait.ge [sflag:s23], $0x6C00  }
0x1c6: {  	[sflag:s23] =	ssyncset.done $0x0  }
0x1c7: {  	[sflag:s23] =	ssyncadd.s32 $0xFFFF9400  }
0x1c8: {  	_ =	sfence.sel $0x180000  }
0x1c9: {  	[bflag:$0x0] =	sbarrier.arrive $0xFFFF  }
0x1ca: {  	p0 =	sne.s32 s0, $0x0;
	_ =	strace $0x90000047  }
0x1cb: {  	s0 =	sadd.s32 @!p0 $0x100000, s1;
	[bflag:$0x2] =	sbarrier.arrive $0xFFFF  }
0x1cc: {  	[sflag:s0] =	ssyncadd.tile.s32 @!p0 $0x1;
	_ =	shalt  }
.Lfunc_end2:
_tile_overlayer_lowered:
.L_overlay_start_2:
0x1cd: {  	(tag) =	ssettag $0x2  }
0x1ce: {  	s0 =	rddreg [dreg:$0x0];
	s2 =	stileid.u32  }
0x1cf: {  	s1 =	rddreg [dreg:$0x1];
	p0 =	sne.s32 s2, $0x0  }
0x1d0: {  	s3 =	rddreg [dreg:$0x2];
	[bflag:$0x3] =	sbarrier.arrive $0xFFFF;
	s2 =	simm.s32 @!p0 $0x1C09  }
0x1d1: {  	[timem:s3], [sflag:s2] =	dma.local @!p0 [hbm:s0], s1  }
0x1d2: {  	s0 =	simm.s32 @!p0 $0x9  }
0x1d3: {  	_ =	swait.ge @!p0 [sflag:s0], s1  }
0x1d4: {  	s1 =	ssub.s32 @!p0 $0x0, s1;
	[sflag:s0] =	ssyncset.done @!p0 $0x0  }
0x1d5: {  	[sflag:s0] =	ssyncadd.s32 @!p0 s1  }
0x1d6: {  	[bflag:$0x3] =	sbarrier.arrive $0xFFFF  }
0x1d7: {  	_ =	shalt  }

</sc_bundles>
